<compile_context>
chip_gen: v7x
topology: tpu7x:2x2x1
jax: 0.10.2.dev20260603
libtpu: 0.0.44.dev20260713+nightly
codegen_flags: <defaults>
</compile_context>

<pallas_src>
import functools

import jax
import jax.numpy as jnp
from jax import lax
from jax.experimental import pallas as pl
from jax.experimental.pallas import tpu as pltpu
from jax.experimental.pallas import tpu_sc as plsc

_NC = 2
_NS = 16
_CHUNK = 64
_LANES = 16


@functools.partial(jax.jit, static_argnums=(3, 4))
def _pos_encode(xf, pf, W, N, D):
    NW = _NC * _NS
    n_per_w = N // NW
    n_chunks = n_per_w // _CHUNK
    n_col = D // _LANES
    mesh = plsc.VectorSubcoreMesh(
        core_axis_name="c", subcore_axis_name="s",
        num_cores=_NC, num_subcores=_NS,
    )

    @functools.partial(
        pl.kernel,
        out_type=jax.ShapeDtypeStruct((N, D), jnp.float32),
        mesh=mesh,
        scratch_types=[
            pltpu.VMEM((n_per_w,), jnp.int32),
            pltpu.VMEM((_CHUNK, D), jnp.float32),
            pltpu.VMEM((_CHUNK, D), jnp.float32),
            pltpu.SemaphoreType.DMA,
        ],
    )
    def k(x_hbm, idx_hbm, w_hbm, out_hbm, idx_v, xbuf, wbuf, sem):
        wid = lax.axis_index("s") * _NC + lax.axis_index("c")
        base = wid * n_per_w
        pltpu.sync_copy(idx_hbm.at[pl.ds(base, n_per_w)], idx_v)

        def body(ch, carry):
            o = base + ch * _CHUNK
            gather = pltpu.async_copy(
                w_hbm.at[idx_v.at[pl.ds(ch * _CHUNK, _CHUNK)]], wbuf, sem
            )
            pltpu.sync_copy(x_hbm.at[pl.ds(o, _CHUNK)], xbuf)
            gather.wait()

            @plsc.parallel_loop(0, _CHUNK, unroll=2)
            def _(r):
                for c in range(n_col):
                    plsc.addupdate(
                        xbuf.at[r, pl.ds(c * _LANES, _LANES)],
                        wbuf[r, pl.ds(c * _LANES, _LANES)],
                    )

            pltpu.sync_copy(xbuf, out_hbm.at[pl.ds(o, _CHUNK)])
            return carry

        lax.fori_loop(0, n_chunks, body, 0)

    return k(xf, pf, W)


def kernel(x, positions, W):
    B, L, D = x.shape
    N = B * L
    xf = x.reshape(N, D)
    pf = positions.reshape(N).astype(jnp.int32)
    out = _pos_encode(xf, pf, W, N, D)
    return out.reshape(B, L, D)

# --- scband reference (transcript-rebuilt; emitter-appended) ---
"""Pipeline reference for scband-positional-encoding-learned-47476568490268 (READ-ONLY COPY).

The authoritative reference and input builder live on the scoring server;
editing this copy changes nothing except your own understanding.
"""

import jax, jax.numpy as jnp
import numpy as np

NUM_POSITIONS = 8192
DIM = 768
BATCH = 4
SEQ_LEN = 8192


def setup_inputs(seed: int = 0) -> dict:
    key = jax.random.key(seed)
    k_x, k_pos, k_w = jax.random.split(key, 3)
    x = jax.random.normal(k_x, (BATCH, SEQ_LEN, DIM), dtype=jnp.float32)
    positions = jax.random.randint(k_pos, (BATCH, SEQ_LEN), 0, NUM_POSITIONS, dtype=jnp.int64 if jax.config.jax_enable_x64 else jnp.int32)
    # Learned embedding table (nn.Embedding weight), default torch init ~ N(0, 1)
    W = jax.random.normal(k_w, (NUM_POSITIONS, DIM), dtype=jnp.float32)
    return {"x": x, "positions": positions, "W": W}


def reference(x, positions, W):
    # Faithful translation of PositionalEncodingLearned.forward with explicit positions.
    # positions: int[B, L] already matching x.shape[:-1]; embedding gather + add.
    pos_embed = jnp.take(W, positions.astype(jnp.int32), axis=0)  # [B, L, DIM]
    return x + pos_embed

if __name__ == "__main__":
    import jax
    _d = setup_inputs()
    print(jax.jit(kernel)(*tuple(_d.values())))

</pallas_src>

<mosaic_0001>
#map = affine_map<(d0, d1) -> (0, 0)>
#map1 = affine_map<(d0, d1) -> (0)>
module attributes {stable_mosaic.version = 14 : i64} {
  func.func @k(%arg0: i32, %arg1: i32, %arg2: memref<32768x768xf32, #tpu.memory_space<hbm>>, %arg3: memref<32768xi32, #tpu.memory_space<hbm>>, %arg4: memref<8192x768xf32, #tpu.memory_space<hbm>>, %arg5: memref<32768x768xf32, #tpu.memory_space<hbm>>, %arg6: memref<1024xi32, #tpu.memory_space<vmem>>, %arg7: memref<64x768xf32, #tpu.memory_space<vmem>>, %arg8: memref<64x768xf32, #tpu.memory_space<vmem>>, %arg9: memref<!tpu.dma_semaphore, #tpu.memory_space<semaphore_mem>>) attributes {dimension_semantics = [#tpu.dimension_semantics<core_parallel>, #tpu.dimension_semantics<subcore_parallel>], iteration_bounds = array<i64: 2, 16>, scalar_prefetch = 0 : i64, scratch_operands = 4 : i64, tpu.core_type = #tpu.core_type<sc_vector_subcore>, window_params = [{transform_indices = #map}, {transform_indices = #map1}, {transform_indices = #map}, {transform_indices = #map}]} {
    %mul3A = arith.constant 2 : i32
    %mul3A_0 = arith.muli %arg1, %mul3A : i32
    %add3A = arith.addi %mul3A_0, %arg0 : i32
    %mul3A_1 = arith.constant 1024 : i32
    %mul3A_2 = arith.muli %add3A, %mul3A_1 : i32
    "tpu.region"() ({
      %run_scoped3A = tpu.sem_alloc : memref<!tpu.dma_semaphore, #tpu.memory_space<semaphore_mem>>
      %dma_start3A = tpu.memref_slice %arg3[%mul3A_2] : memref<32768xi32, #tpu.memory_space<hbm>> -> memref<1024xi32, #tpu.memory_space<hbm>>
      %dma_start3A_8 = tpu.memref_slice %arg3[%mul3A_2] : memref<32768xi32, #tpu.memory_space<hbm>> -> memref<1024xi32, #tpu.memory_space<hbm>>
      tpu.enqueue_dma source(%dma_start3A_8 : memref<1024xi32, #tpu.memory_space<hbm>>) target(%arg6 : memref<1024xi32, #tpu.memory_space<vmem>>) target_semaphore(%run_scoped3A : memref<!tpu.dma_semaphore, #tpu.memory_space<semaphore_mem>>)
      %dma_wait3A = tpu.memref_slice %arg3[%mul3A_2] : memref<32768xi32, #tpu.memory_space<hbm>> -> memref<1024xi32, #tpu.memory_space<hbm>>
      %dma_wait3A_9 = tpu.memref_slice %arg3[%mul3A_2] : memref<32768xi32, #tpu.memory_space<hbm>> -> memref<1024xi32, #tpu.memory_space<hbm>>
      tpu.wait_dma2 semaphore(%run_scoped3A : memref<!tpu.dma_semaphore, #tpu.memory_space<semaphore_mem>>) src(%dma_wait3A_9 : memref<1024xi32, #tpu.memory_space<hbm>>) dst(%arg6 : memref<1024xi32, #tpu.memory_space<vmem>>)
      tpu.yield
    }) : () -> ()
    %scan3A = arith.constant 0 : i32
    %scan3A_3 = arith.constant 0 : i32
    %scan3A_4 = arith.constant 16 : i32
    %scan3A_5 = arith.addi %scan3A_3, %scan3A_4 : i32
    %scan3A_6 = arith.constant 1 : i32
    scf.for %scan3A_8 = %scan3A_3 to %scan3A_5 step %scan3A_6  : i32 {
      %mul3A_9 = arith.constant 64 : i32
      %mul3A_10 = arith.muli %scan3A_8, %mul3A_9 : i32
      %add3A_11 = arith.addi %mul3A_2, %mul3A_10 : i32
      %mul3A_12 = arith.constant 64 : i32
      %mul3A_13 = arith.muli %scan3A_8, %mul3A_12 : i32
      %dma_start3A = tpu.memref_slice %arg6[%mul3A_13] : memref<1024xi32, #tpu.memory_space<vmem>> -> memref<64xi32, #tpu.memory_space<vmem>>
      %dma_start3A_14 = arith.constant 0 : i32
      %dma_start3A_15 = arith.constant 0 : i32
      %dma_start3A_16 = tpu.memref_slice %arg4[%dma_start3A_14, %dma_start3A_15] : memref<8192x768xf32, #tpu.memory_space<hbm>> -> memref<8192x768xf32, #tpu.memory_space<hbm>>
      tpu.enqueue_indirect_dma source(%dma_start3A_16 : memref<8192x768xf32, #tpu.memory_space<hbm>>) target(%arg8 : memref<64x768xf32, #tpu.memory_space<vmem>>) offsets(%dma_start3A : memref<64xi32, #tpu.memory_space<vmem>>) semaphore(%arg9 : memref<!tpu.dma_semaphore, #tpu.memory_space<semaphore_mem>>)
      "tpu.region"() ({
        %run_scoped3A = tpu.sem_alloc : memref<!tpu.dma_semaphore, #tpu.memory_space<semaphore_mem>>
        %dma_start3A_22 = arith.constant 0 : i32
        %dma_start3A_23 = tpu.memref_slice %arg2[%add3A_11, %dma_start3A_22] : memref<32768x768xf32, #tpu.memory_space<hbm>> -> memref<64x768xf32, #tpu.memory_space<hbm>>
        %dma_start3A_24 = arith.constant 0 : i32
        %dma_start3A_25 = tpu.memref_slice %arg2[%add3A_11, %dma_start3A_24] : memref<32768x768xf32, #tpu.memory_space<hbm>> -> memref<64x768xf32, #tpu.memory_space<hbm>>
        tpu.enqueue_dma source(%dma_start3A_25 : memref<64x768xf32, #tpu.memory_space<hbm>>) target(%arg7 : memref<64x768xf32, #tpu.memory_space<vmem>>) target_semaphore(%run_scoped3A : memref<!tpu.dma_semaphore, #tpu.memory_space<semaphore_mem>>)
        %dma_wait3A_26 = arith.constant 0 : i32
        %dma_wait3A_27 = tpu.memref_slice %arg2[%add3A_11, %dma_wait3A_26] : memref<32768x768xf32, #tpu.memory_space<hbm>> -> memref<64x768xf32, #tpu.memory_space<hbm>>
        %dma_wait3A_28 = arith.constant 0 : i32
        %dma_wait3A_29 = tpu.memref_slice %arg2[%add3A_11, %dma_wait3A_28] : memref<32768x768xf32, #tpu.memory_space<hbm>> -> memref<64x768xf32, #tpu.memory_space<hbm>>
        tpu.wait_dma2 semaphore(%run_scoped3A : memref<!tpu.dma_semaphore, #tpu.memory_space<semaphore_mem>>) src(%dma_wait3A_29 : memref<64x768xf32, #tpu.memory_space<hbm>>) dst(%arg7 : memref<64x768xf32, #tpu.memory_space<vmem>>)
        tpu.yield
      }) : () -> ()
      %dma_wait3A = tpu.memref_slice %arg6[%mul3A_13] : memref<1024xi32, #tpu.memory_space<vmem>> -> memref<64xi32, #tpu.memory_space<vmem>>
      %dma_wait3A_17 = arith.constant 0 : i32
      %dma_wait3A_18 = arith.constant 0 : i32
      %dma_wait3A_19 = tpu.memref_slice %arg4[%dma_wait3A_17, %dma_wait3A_18] : memref<8192x768xf32, #tpu.memory_space<hbm>> -> memref<8192x768xf32, #tpu.memory_space<hbm>>
      tpu.wait_indirect_dma semaphore(%arg9 : memref<!tpu.dma_semaphore, #tpu.memory_space<semaphore_mem>>) src(%dma_wait3A_19 : memref<8192x768xf32, #tpu.memory_space<hbm>>) dst(%arg8 : memref<64x768xf32, #tpu.memory_space<vmem>>)
      %parallel_loop3A = arith.constant 0 : i32
      %parallel_loop3A_20 = arith.constant 64 : i32
      %parallel_loop3A_21 = arith.constant 1 : i32
      scf.for %parallel_loop3A_22 = %parallel_loop3A to %parallel_loop3A_20 step %parallel_loop3A_21  : i32 {
        %parallel_loop3A_23 = arith.index_cast %parallel_loop3A_22 : i32 to index
        %parallel_loop3A_24 = arith.constant 0 : index
        %parallel_loop3A_25 = tpu.vector_load %arg8[%parallel_loop3A_23, %parallel_loop3A_24] {strides = array<i32>} : memref<64x768xf32, #tpu.memory_space<vmem>>, vector<1x16xf32>,
        %parallel_loop3A_26 = vector.shape_cast %parallel_loop3A_25 : vector<1x16xf32> to vector<16xf32>
        %parallel_loop3A_27 = arith.index_cast %parallel_loop3A_22 : i32 to index
        %parallel_loop3A_28 = arith.constant 0 : index
        %parallel_loop3A_29 = tpu.vector_load %arg7[%parallel_loop3A_27, %parallel_loop3A_28] {strides = array<i32>} : memref<64x768xf32, #tpu.memory_space<vmem>>, vector<1x16xf32>,
        %parallel_loop3A_30 = vector.shape_cast %parallel_loop3A_29 : vector<1x16xf32> to vector<16xf32>
        %parallel_loop3A_31 = vector.shape_cast %parallel_loop3A_26 : vector<16xf32> to vector<1x16xf32>
        tpu.vector_store %arg7[%parallel_loop3A_27, %parallel_loop3A_28], %parallel_loop3A_31 {add = true, strides = array<i32>} : memref<64x768xf32, #tpu.memory_space<vmem>>, vector<1x16xf32>,
        %parallel_loop3A_32 = arith.index_cast %parallel_loop3A_22 : i32 to index
        %parallel_loop3A_33 = arith.constant 16 : index
        %parallel_loop3A_34 = tpu.vector_load %arg8[%parallel_loop3A_32, %parallel_loop3A_33] {strides = array<i32>} : memref<64x768xf32, #tpu.memory_space<vmem>>, vector<1x16xf32>,
        %parallel_loop3A_35 = vector.shape_cast %parallel_loop3A_34 : vector<1x16xf32> to vector<16xf32>
        %parallel_loop3A_36 = arith.index_cast %parallel_loop3A_22 : i32 to index
        %parallel_loop3A_37 = arith.constant 16 : index
        %parallel_loop3A_38 = tpu.vector_load %arg7[%parallel_loop3A_36, %parallel_loop3A_37] {strides = array<i32>} : memref<64x768xf32, #tpu.memory_space<vmem>>, vector<1x16xf32>,
        %parallel_loop3A_39 = vector.shape_cast %parallel_loop3A_38 : vector<1x16xf32> to vector<16xf32>
        %parallel_loop3A_40 = vector.shape_cast %parallel_loop3A_35 : vector<16xf32> to vector<1x16xf32>
        tpu.vector_store %arg7[%parallel_loop3A_36, %parallel_loop3A_37], %parallel_loop3A_40 {add = true, strides = array<i32>} : memref<64x768xf32, #tpu.memory_space<vmem>>, vector<1x16xf32>,
        %parallel_loop3A_41 = arith.index_cast %parallel_loop3A_22 : i32 to index
        %parallel_loop3A_42 = arith.constant 32 : index
        %parallel_loop3A_43 = tpu.vector_load %arg8[%parallel_loop3A_41, %parallel_loop3A_42] {strides = array<i32>} : memref<64x768xf32, #tpu.memory_space<vmem>>, vector<1x16xf32>,
        %parallel_loop3A_44 = vector.shape_cast %parallel_loop3A_43 : vector<1x16xf32> to vector<16xf32>
        %parallel_loop3A_45 = arith.index_cast %parallel_loop3A_22 : i32 to index
        %parallel_loop3A_46 = arith.constant 32 : index
        %parallel_loop3A_47 = tpu.vector_load %arg7[%parallel_loop3A_45, %parallel_loop3A_46] {strides = array<i32>} : memref<64x768xf32, #tpu.memory_space<vmem>>, vector<1x16xf32>,
        %parallel_loop3A_48 = vector.shape_cast %parallel_loop3A_47 : vector<1x16xf32> to vector<16xf32>
        %parallel_loop3A_49 = vector.shape_cast %parallel_loop3A_44 : vector<16xf32> to vector<1x16xf32>
        tpu.vector_store %arg7[%parallel_loop3A_45, %parallel_loop3A_46], %parallel_loop3A_49 {add = true, strides = array<i32>} : memref<64x768xf32, #tpu.memory_space<vmem>>, vector<1x16xf32>,
        %parallel_loop3A_50 = arith.index_cast %parallel_loop3A_22 : i32 to index
        %parallel_loop3A_51 = arith.constant 48 : index
        %parallel_loop3A_52 = tpu.vector_load %arg8[%parallel_loop3A_50, %parallel_loop3A_51] {strides = array<i32>} : memref<64x768xf32, #tpu.memory_space<vmem>>, vector<1x16xf32>,
        %parallel_loop3A_53 = vector.shape_cast %parallel_loop3A_52 : vector<1x16xf32> to vector<16xf32>
        %parallel_loop3A_54 = arith.index_cast %parallel_loop3A_22 : i32 to index
        %parallel_loop3A_55 = arith.constant 48 : index
        %parallel_loop3A_56 = tpu.vector_load %arg7[%parallel_loop3A_54, %parallel_loop3A_55] {strides = array<i32>} : memref<64x768xf32, #tpu.memory_space<vmem>>, vector<1x16xf32>,
        %parallel_loop3A_57 = vector.shape_cast %parallel_loop3A_56 : vector<1x16xf32> to vector<16xf32>
        %parallel_loop3A_58 = vector.shape_cast %parallel_loop3A_53 : vector<16xf32> to vector<1x16xf32>
        tpu.vector_store %arg7[%parallel_loop3A_54, %parallel_loop3A_55], %parallel_loop3A_58 {add = true, strides = array<i32>} : memref<64x768xf32, #tpu.memory_space<vmem>>, vector<1x16xf32>,
        %parallel_loop3A_59 = arith.index_cast %parallel_loop3A_22 : i32 to index
        %parallel_loop3A_60 = arith.constant 64 : index
        %parallel_loop3A_61 = tpu.vector_load %arg8[%parallel_loop3A_59, %parallel_loop3A_60] {strides = array<i32>} : memref<64x768xf32, #tpu.memory_space<vmem>>, vector<1x16xf32>,
        %parallel_loop3A_62 = vector.shape_cast %parallel_loop3A_61 : vector<1x16xf32> to vector<16xf32>
        %parallel_loop3A_63 = arith.index_cast %parallel_loop3A_22 : i32 to index
        %parallel_loop3A_64 = arith.constant 64 : index
        %parallel_loop3A_65 = tpu.vector_load %arg7[%parallel_loop3A_63, %parallel_loop3A_64] {strides = array<i32>} : memref<64x768xf32, #tpu.memory_space<vmem>>, vector<1x16xf32>,
        %parallel_loop3A_66 = vector.shape_cast %parallel_loop3A_65 : vector<1x16xf32> to vector<16xf32>
        %parallel_loop3A_67 = vector.shape_cast %parallel_loop3A_62 : vector<16xf32> to vector<1x16xf32>
        tpu.vector_store %arg7[%parallel_loop3A_63, %parallel_loop3A_64], %parallel_loop3A_67 {add = true, strides = array<i32>} : memref<64x768xf32, #tpu.memory_space<vmem>>, vector<1x16xf32>,
        %parallel_loop3A_68 = arith.index_cast %parallel_loop3A_22 : i32 to index
        %parallel_loop3A_69 = arith.constant 80 : index
        %parallel_loop3A_70 = tpu.vector_load %arg8[%parallel_loop3A_68, %parallel_loop3A_69] {strides = array<i32>} : memref<64x768xf32, #tpu.memory_space<vmem>>, vector<1x16xf32>,
        %parallel_loop3A_71 = vector.shape_cast %parallel_loop3A_70 : vector<1x16xf32> to vector<16xf32>
        %parallel_loop3A_72 = arith.index_cast %parallel_loop3A_22 : i32 to index
        %parallel_loop3A_73 = arith.constant 80 : index
        %parallel_loop3A_74 = tpu.vector_load %arg7[%parallel_loop3A_72, %parallel_loop3A_73] {strides = array<i32>} : memref<64x768xf32, #tpu.memory_space<vmem>>, vector<1x16xf32>,
        %parallel_loop3A_75 = vector.shape_cast %parallel_loop3A_74 : vector<1x16xf32> to vector<16xf32>
        %parallel_loop3A_76 = vector.shape_cast %parallel_loop3A_71 : vector<16xf32> to vector<1x16xf32>
        tpu.vector_store %arg7[%parallel_loop3A_72, %parallel_loop3A_73], %parallel_loop3A_76 {add = true, strides = array<i32>} : memref<64x768xf32, #tpu.memory_space<vmem>>, vector<1x16xf32>,
        %parallel_loop3A_77 = arith.index_cast %parallel_loop3A_22 : i32 to index
        %parallel_loop3A_78 = arith.constant 96 : index
        %parallel_loop3A_79 = tpu.vector_load %arg8[%parallel_loop3A_77, %parallel_loop3A_78] {strides = array<i32>} : memref<64x768xf32, #tpu.memory_space<vmem>>, vector<1x16xf32>,
        %parallel_loop3A_80 = vector.shape_cast %parallel_loop3A_79 : vector<1x16xf32> to vector<16xf32>
        %parallel_loop3A_81 = arith.index_cast %parallel_loop3A_22 : i32 to index
        %parallel_loop3A_82 = arith.constant 96 : index
        %parallel_loop3A_83 = tpu.vector_load %arg7[%parallel_loop3A_81, %parallel_loop3A_82] {strides = array<i32>} : memref<64x768xf32, #tpu.memory_space<vmem>>, vector<1x16xf32>,
        %parallel_loop3A_84 = vector.shape_cast %parallel_loop3A_83 : vector<1x16xf32> to vector<16xf32>
        %parallel_loop3A_85 = vector.shape_cast %parallel_loop3A_80 : vector<16xf32> to vector<1x16xf32>
        tpu.vector_store %arg7[%parallel_loop3A_81, %parallel_loop3A_82], %parallel_loop3A_85 {add = true, strides = array<i32>} : memref<64x768xf32, #tpu.memory_space<vmem>>, vector<1x16xf32>,
        %parallel_loop3A_86 = arith.index_cast %parallel_loop3A_22 : i32 to index
        %parallel_loop3A_87 = arith.constant 112 : index
        %parallel_loop3A_88 = tpu.vector_load %arg8[%parallel_loop3A_86, %parallel_loop3A_87] {strides = array<i32>} : memref<64x768xf32, #tpu.memory_space<vmem>>, vector<1x16xf32>,
        %parallel_loop3A_89 = vector.shape_cast %parallel_loop3A_88 : vector<1x16xf32> to vector<16xf32>
        %parallel_loop3A_90 = arith.index_cast %parallel_loop3A_22 : i32 to index
        %parallel_loop3A_91 = arith.constant 112 : index
        %parallel_loop3A_92 = tpu.vector_load %arg7[%parallel_loop3A_90, %parallel_loop3A_91] {strides = array<i32>} : memref<64x768xf32, #tpu.memory_space<vmem>>, vector<1x16xf32>,
        %parallel_loop3A_93 = vector.shape_cast %parallel_loop3A_92 : vector<1x16xf32> to vector<16xf32>
        %parallel_loop3A_94 = vector.shape_cast %parallel_loop3A_89 : vector<16xf32> to vector<1x16xf32>
        tpu.vector_store %arg7[%parallel_loop3A_90, %parallel_loop3A_91], %parallel_loop3A_94 {add = true, strides = array<i32>} : memref<64x768xf32, #tpu.memory_space<vmem>>, vector<1x16xf32>,
        %parallel_loop3A_95 = arith.index_cast %parallel_loop3A_22 : i32 to index
        %parallel_loop3A_96 = arith.constant 128 : index
        %parallel_loop3A_97 = tpu.vector_load %arg8[%parallel_loop3A_95, %parallel_loop3A_96] {strides = array<i32>} : memref<64x768xf32, #tpu.memory_space<vmem>>, vector<1x16xf32>,
        %parallel_loop3A_98 = vector.shape_cast %parallel_loop3A_97 : vector<1x16xf32> to vector<16xf32>
        %parallel_loop3A_99 = arith.index_cast %parallel_loop3A_22 : i32 to index
        %parallel_loop3A_100 = arith.constant 128 : index
        %parallel_loop3A_101 = tpu.vector_load %arg7[%parallel_loop3A_99, %parallel_loop3A_100] {strides = array<i32>} : memref<64x768xf32, #tpu.memory_space<vmem>>, vector<1x16xf32>,
        %parallel_loop3A_102 = vector.shape_cast %parallel_loop3A_101 : vector<1x16xf32> to vector<16xf32>
        %parallel_loop3A_103 = vector.shape_cast %parallel_loop3A_98 : vector<16xf32> to vector<1x16xf32>
        tpu.vector_store %arg7[%parallel_loop3A_99, %parallel_loop3A_100], %parallel_loop3A_103 {add = true, strides = array<i32>} : memref<64x768xf32, #tpu.memory_space<vmem>>, vector<1x16xf32>,
        %parallel_loop3A_104 = arith.index_cast %parallel_loop3A_22 : i32 to index
        %parallel_loop3A_105 = arith.constant 144 : index
        %parallel_loop3A_106 = tpu.vector_load %arg8[%parallel_loop3A_104, %parallel_loop3A_105] {strides = array<i32>} : memref<64x768xf32, #tpu.memory_space<vmem>>, vector<1x16xf32>,
        %parallel_loop3A_107 = vector.shape_cast %parallel_loop3A_106 : vector<1x16xf32> to vector<16xf32>
        %parallel_loop3A_108 = arith.index_cast %parallel_loop3A_22 : i32 to index
        %parallel_loop3A_109 = arith.constant 144 : index
        %parallel_loop3A_110 = tpu.vector_load %arg7[%parallel_loop3A_108, %parallel_loop3A_109] {strides = array<i32>} : memref<64x768xf32, #tpu.memory_space<vmem>>, vector<1x16xf32>,
        %parallel_loop3A_111 = vector.shape_cast %parallel_loop3A_110 : vector<1x16xf32> to vector<16xf32>
        %parallel_loop3A_112 = vector.shape_cast %parallel_loop3A_107 : vector<16xf32> to vector<1x16xf32>
        tpu.vector_store %arg7[%parallel_loop3A_108, %parallel_loop3A_109], %parallel_loop3A_112 {add = true, strides = array<i32>} : memref<64x768xf32, #tpu.memory_space<vmem>>, vector<1x16xf32>,
        %parallel_loop3A_113 = arith.index_cast %parallel_loop3A_22 : i32 to index
        %parallel_loop3A_114 = arith.constant 160 : index
        %parallel_loop3A_115 = tpu.vector_load %arg8[%parallel_loop3A_113, %parallel_loop3A_114] {strides = array<i32>} : memref<64x768xf32, #tpu.memory_space<vmem>>, vector<1x16xf32>,
        %parallel_loop3A_116 = vector.shape_cast %parallel_loop3A_115 : vector<1x16xf32> to vector<16xf32>
        %parallel_loop3A_117 = arith.index_cast %parallel_loop3A_22 : i32 to index
        %parallel_loop3A_118 = arith.constant 160 : index
        %parallel_loop3A_119 = tpu.vector_load %arg7[%parallel_loop3A_117, %parallel_loop3A_118] {strides = array<i32>} : memref<64x768xf32, #tpu.memory_space<vmem>>, vector<1x16xf32>,
        %parallel_loop3A_120 = vector.shape_cast %parallel_loop3A_119 : vector<1x16xf32> to vector<16xf32>
        %parallel_loop3A_121 = vector.shape_cast %parallel_loop3A_116 : vector<16xf32> to vector<1x16xf32>
        tpu.vector_store %arg7[%parallel_loop3A_117, %parallel_loop3A_118], %parallel_loop3A_121 {add = true, strides = array<i32>} : memref<64x768xf32, #tpu.memory_space<vmem>>, vector<1x16xf32>,
        %parallel_loop3A_122 = arith.index_cast %parallel_loop3A_22 : i32 to index
        %parallel_loop3A_123 = arith.constant 176 : index
        %parallel_loop3A_124 = tpu.vector_load %arg8[%parallel_loop3A_122, %parallel_loop3A_123] {strides = array<i32>} : memref<64x768xf32, #tpu.memory_space<vmem>>, vector<1x16xf32>,
        %parallel_loop3A_125 = vector.shape_cast %parallel_loop3A_124 : vector<1x16xf32> to vector<16xf32>
        %parallel_loop3A_126 = arith.index_cast %parallel_loop3A_22 : i32 to index
        %parallel_loop3A_127 = arith.constant 176 : index
        %parallel_loop3A_128 = tpu.vector_load %arg7[%parallel_loop3A_126, %parallel_loop3A_127] {strides = array<i32>} : memref<64x768xf32, #tpu.memory_space<vmem>>, vector<1x16xf32>,
        %parallel_loop3A_129 = vector.shape_cast %parallel_loop3A_128 : vector<1x16xf32> to vector<16xf32>
        %parallel_loop3A_130 = vector.shape_cast %parallel_loop3A_125 : vector<16xf32> to vector<1x16xf32>
        tpu.vector_store %arg7[%parallel_loop3A_126, %parallel_loop3A_127], %parallel_loop3A_130 {add = true, strides = array<i32>} : memref<64x768xf32, #tpu.memory_space<vmem>>, vector<1x16xf32>,
        %parallel_loop3A_131 = arith.index_cast %parallel_loop3A_22 : i32 to index
        %parallel_loop3A_132 = arith.constant 192 : index
        %parallel_loop3A_133 = tpu.vector_load %arg8[%parallel_loop3A_131, %parallel_loop3A_132] {strides = array<i32>} : memref<64x768xf32, #tpu.memory_space<vmem>>, vector<1x16xf32>,
        %parallel_loop3A_134 = vector.shape_cast %parallel_loop3A_133 : vector<1x16xf32> to vector<16xf32>
        %parallel_loop3A_135 = arith.index_cast %parallel_loop3A_22 : i32 to index
        %parallel_loop3A_136 = arith.constant 192 : index
        %parallel_loop3A_137 = tpu.vector_load %arg7[%parallel_loop3A_135, %parallel_loop3A_136] {strides = array<i32>} : memref<64x768xf32, #tpu.memory_space<vmem>>, vector<1x16xf32>,
        %parallel_loop3A_138 = vector.shape_cast %parallel_loop3A_137 : vector<1x16xf32> to vector<16xf32>
        %parallel_loop3A_139 = vector.shape_cast %parallel_loop3A_134 : vector<16xf32> to vector<1x16xf32>
        tpu.vector_store %arg7[%parallel_loop3A_135, %parallel_loop3A_136], %parallel_loop3A_139 {add = true, strides = array<i32>} : memref<64x768xf32, #tpu.memory_space<vmem>>, vector<1x16xf32>,
        %parallel_loop3A_140 = arith.index_cast %parallel_loop3A_22 : i32 to index
        %parallel_loop3A_141 = arith.constant 208 : index
        %parallel_loop3A_142 = tpu.vector_load %arg8[%parallel_loop3A_140, %parallel_loop3A_141] {strides = array<i32>} : memref<64x768xf32, #tpu.memory_space<vmem>>, vector<1x16xf32>,
        %parallel_loop3A_143 = vector.shape_cast %parallel_loop3A_142 : vector<1x16xf32> to vector<16xf32>
        %parallel_loop3A_144 = arith.index_cast %parallel_loop3A_22 : i32 to index
        %parallel_loop3A_145 = arith.constant 208 : index
        %parallel_loop3A_146 = tpu.vector_load %arg7[%parallel_loop3A_144, %parallel_loop3A_145] {strides = array<i32>} : memref<64x768xf32, #tpu.memory_space<vmem>>, vector<1x16xf32>,
        %parallel_loop3A_147 = vector.shape_cast %parallel_loop3A_146 : vector<1x16xf32> to vector<16xf32>
        %parallel_loop3A_148 = vector.shape_cast %parallel_loop3A_143 : vector<16xf32> to vector<1x16xf32>
        tpu.vector_store %arg7[%parallel_loop3A_144, %parallel_loop3A_145], %parallel_loop3A_148 {add = true, strides = array<i32>} : memref<64x768xf32, #tpu.memory_space<vmem>>, vector<1x16xf32>,
        %parallel_loop3A_149 = arith.index_cast %parallel_loop3A_22 : i32 to index
        %parallel_loop3A_150 = arith.constant 224 : index
        %parallel_loop3A_151 = tpu.vector_load %arg8[%parallel_loop3A_149, %parallel_loop3A_150] {strides = array<i32>} : memref<64x768xf32, #tpu.memory_space<vmem>>, vector<1x16xf32>,
        %parallel_loop3A_152 = vector.shape_cast %parallel_loop3A_151 : vector<1x16xf32> to vector<16xf32>
        %parallel_loop3A_153 = arith.index_cast %parallel_loop3A_22 : i32 to index
        %parallel_loop3A_154 = arith.constant 224 : index
        %parallel_loop3A_155 = tpu.vector_load %arg7[%parallel_loop3A_153, %parallel_loop3A_154] {strides = array<i32>} : memref<64x768xf32, #tpu.memory_space<vmem>>, vector<1x16xf32>,
        %parallel_loop3A_156 = vector.shape_cast %parallel_loop3A_155 : vector<1x16xf32> to vector<16xf32>
        %parallel_loop3A_157 = vector.shape_cast %parallel_loop3A_152 : vector<16xf32> to vector<1x16xf32>
        tpu.vector_store %arg7[%parallel_loop3A_153, %parallel_loop3A_154], %parallel_loop3A_157 {add = true, strides = array<i32>} : memref<64x768xf32, #tpu.memory_space<vmem>>, vector<1x16xf32>,
        %parallel_loop3A_158 = arith.index_cast %parallel_loop3A_22 : i32 to index
        %parallel_loop3A_159 = arith.constant 240 : index
        %parallel_loop3A_160 = tpu.vector_load %arg8[%parallel_loop3A_158, %parallel_loop3A_159] {strides = array<i32>} : memref<64x768xf32, #tpu.memory_space<vmem>>, vector<1x16xf32>,
        %parallel_loop3A_161 = vector.shape_cast %parallel_loop3A_160 : vector<1x16xf32> to vector<16xf32>
        %parallel_loop3A_162 = arith.index_cast %parallel_loop3A_22 : i32 to index
        %parallel_loop3A_163 = arith.constant 240 : index
        %parallel_loop3A_164 = tpu.vector_load %arg7[%parallel_loop3A_162, %parallel_loop3A_163] {strides = array<i32>} : memref<64x768xf32, #tpu.memory_space<vmem>>, vector<1x16xf32>,
        %parallel_loop3A_165 = vector.shape_cast %parallel_loop3A_164 : vector<1x16xf32> to vector<16xf32>
        %parallel_loop3A_166 = vector.shape_cast %parallel_loop3A_161 : vector<16xf32> to vector<1x16xf32>
        tpu.vector_store %arg7[%parallel_loop3A_162, %parallel_loop3A_163], %parallel_loop3A_166 {add = true, strides = array<i32>} : memref<64x768xf32, #tpu.memory_space<vmem>>, vector<1x16xf32>,
        %parallel_loop3A_167 = arith.index_cast %parallel_loop3A_22 : i32 to index
        %parallel_loop3A_168 = arith.constant 256 : index
        %parallel_loop3A_169 = tpu.vector_load %arg8[%parallel_loop3A_167, %parallel_loop3A_168] {strides = array<i32>} : memref<64x768xf32, #tpu.memory_space<vmem>>, vector<1x16xf32>,
        %parallel_loop3A_170 = vector.shape_cast %parallel_loop3A_169 : vector<1x16xf32> to vector<16xf32>
        %parallel_loop3A_171 = arith.index_cast %parallel_loop3A_22 : i32 to index
        %parallel_loop3A_172 = arith.constant 256 : index
        %parallel_loop3A_173 = tpu.vector_load %arg7[%parallel_loop3A_171, %parallel_loop3A_172] {strides = array<i32>} : memref<64x768xf32, #tpu.memory_space<vmem>>, vector<1x16xf32>,
        %parallel_loop3A_174 = vector.shape_cast %parallel_loop3A_173 : vector<1x16xf32> to vector<16xf32>
        %parallel_loop3A_175 = vector.shape_cast %parallel_loop3A_170 : vector<16xf32> to vector<1x16xf32>
        tpu.vector_store %arg7[%parallel_loop3A_171, %parallel_loop3A_172], %parallel_loop3A_175 {add = true, strides = array<i32>} : memref<64x768xf32, #tpu.memory_space<vmem>>, vector<1x16xf32>,
        %parallel_loop3A_176 = arith.index_cast %parallel_loop3A_22 : i32 to index
        %parallel_loop3A_177 = arith.constant 272 : index
        %parallel_loop3A_178 = tpu.vector_load %arg8[%parallel_loop3A_176, %parallel_loop3A_177] {strides = array<i32>} : memref<64x768xf32, #tpu.memory_space<vmem>>, vector<1x16xf32>,
        %parallel_loop3A_179 = vector.shape_cast %parallel_loop3A_178 : vector<1x16xf32> to vector<16xf32>
        %parallel_loop3A_180 = arith.index_cast %parallel_loop3A_22 : i32 to index
        %parallel_loop3A_181 = arith.constant 272 : index
        %parallel_loop3A_182 = tpu.vector_load %arg7[%parallel_loop3A_180, %parallel_loop3A_181] {strides = array<i32>} : memref<64x768xf32, #tpu.memory_space<vmem>>, vector<1x16xf32>,
        %parallel_loop3A_183 = vector.shape_cast %parallel_loop3A_182 : vector<1x16xf32> to vector<16xf32>
        %parallel_loop3A_184 = vector.shape_cast %parallel_loop3A_179 : vector<16xf32> to vector<1x16xf32>
        tpu.vector_store %arg7[%parallel_loop3A_180, %parallel_loop3A_181], %parallel_loop3A_184 {add = true, strides = array<i32>} : memref<64x768xf32, #tpu.memory_space<vmem>>, vector<1x16xf32>,
        %parallel_loop3A_185 = arith.index_cast %parallel_loop3A_22 : i32 to index
        %parallel_loop3A_186 = arith.constant 288 : index
        %parallel_loop3A_187 = tpu.vector_load %arg8[%parallel_loop3A_185, %parallel_loop3A_186] {strides = array<i32>} : memref<64x768xf32, #tpu.memory_space<vmem>>, vector<1x16xf32>,
        %parallel_loop3A_188 = vector.shape_cast %parallel_loop3A_187 : vector<1x16xf32> to vector<16xf32>
        %parallel_loop3A_189 = arith.index_cast %parallel_loop3A_22 : i32 to index
        %parallel_loop3A_190 = arith.constant 288 : index
        %parallel_loop3A_191 = tpu.vector_load %arg7[%parallel_loop3A_189, %parallel_loop3A_190] {strides = array<i32>} : memref<64x768xf32, #tpu.memory_space<vmem>>, vector<1x16xf32>,
        %parallel_loop3A_192 = vector.shape_cast %parallel_loop3A_191 : vector<1x16xf32> to vector<16xf32>
        %parallel_loop3A_193 = vector.shape_cast %parallel_loop3A_188 : vector<16xf32> to vector<1x16xf32>
        tpu.vector_store %arg7[%parallel_loop3A_189, %parallel_loop3A_190], %parallel_loop3A_193 {add = true, strides = array<i32>} : memref<64x768xf32, #tpu.memory_space<vmem>>, vector<1x16xf32>,
        %parallel_loop3A_194 = arith.index_cast %parallel_loop3A_22 : i32 to index
        %parallel_loop3A_195 = arith.constant 304 : index
        %parallel_loop3A_196 = tpu.vector_load %arg8[%parallel_loop3A_194, %parallel_loop3A_195] {strides = array<i32>} : memref<64x768xf32, #tpu.memory_space<vmem>>, vector<1x16xf32>,
        %parallel_loop3A_197 = vector.shape_cast %parallel_loop3A_196 : vector<1x16xf32> to vector<16xf32>
        %parallel_loop3A_198 = arith.index_cast %parallel_loop3A_22 : i32 to index
        %parallel_loop3A_199 = arith.constant 304 : index
        %parallel_loop3A_200 = tpu.vector_load %arg7[%parallel_loop3A_198, %parallel_loop3A_199] {strides = array<i32>} : memref<64x768xf32, #tpu.memory_space<vmem>>, vector<1x16xf32>,
        %parallel_loop3A_201 = vector.shape_cast %parallel_loop3A_200 : vector<1x16xf32> to vector<16xf32>
        %parallel_loop3A_202 = vector.shape_cast %parallel_loop3A_197 : vector<16xf32> to vector<1x16xf32>
        tpu.vector_store %arg7[%parallel_loop3A_198, %parallel_loop3A_199], %parallel_loop3A_202 {add = true, strides = array<i32>} : memref<64x768xf32, #tpu.memory_space<vmem>>, vector<1x16xf32>,
        %parallel_loop3A_203 = arith.index_cast %parallel_loop3A_22 : i32 to index
        %parallel_loop3A_204 = arith.constant 320 : index
        %parallel_loop3A_205 = tpu.vector_load %arg8[%parallel_loop3A_203, %parallel_loop3A_204] {strides = array<i32>} : memref<64x768xf32, #tpu.memory_space<vmem>>, vector<1x16xf32>,
        %parallel_loop3A_206 = vector.shape_cast %parallel_loop3A_205 : vector<1x16xf32> to vector<16xf32>
        %parallel_loop3A_207 = arith.index_cast %parallel_loop3A_22 : i32 to index
        %parallel_loop3A_208 = arith.constant 320 : index
        %parallel_loop3A_209 = tpu.vector_load %arg7[%parallel_loop3A_207, %parallel_loop3A_208] {strides = array<i32>} : memref<64x768xf32, #tpu.memory_space<vmem>>, vector<1x16xf32>,
        %parallel_loop3A_210 = vector.shape_cast %parallel_loop3A_209 : vector<1x16xf32> to vector<16xf32>
        %parallel_loop3A_211 = vector.shape_cast %parallel_loop3A_206 : vector<16xf32> to vector<1x16xf32>
        tpu.vector_store %arg7[%parallel_loop3A_207, %parallel_loop3A_208], %parallel_loop3A_211 {add = true, strides = array<i32>} : memref<64x768xf32, #tpu.memory_space<vmem>>, vector<1x16xf32>,
        %parallel_loop3A_212 = arith.index_cast %parallel_loop3A_22 : i32 to index
        %parallel_loop3A_213 = arith.constant 336 : index
        %parallel_loop3A_214 = tpu.vector_load %arg8[%parallel_loop3A_212, %parallel_loop3A_213] {strides = array<i32>} : memref<64x768xf32, #tpu.memory_space<vmem>>, vector<1x16xf32>,
        %parallel_loop3A_215 = vector.shape_cast %parallel_loop3A_214 : vector<1x16xf32> to vector<16xf32>
        %parallel_loop3A_216 = arith.index_cast %parallel_loop3A_22 : i32 to index
        %parallel_loop3A_217 = arith.constant 336 : index
        %parallel_loop3A_218 = tpu.vector_load %arg7[%parallel_loop3A_216, %parallel_loop3A_217] {strides = array<i32>} : memref<64x768xf32, #tpu.memory_space<vmem>>, vector<1x16xf32>,
        %parallel_loop3A_219 = vector.shape_cast %parallel_loop3A_218 : vector<1x16xf32> to vector<16xf32>
        %parallel_loop3A_220 = vector.shape_cast %parallel_loop3A_215 : vector<16xf32> to vector<1x16xf32>
        tpu.vector_store %arg7[%parallel_loop3A_216, %parallel_loop3A_217], %parallel_loop3A_220 {add = true, strides = array<i32>} : memref<64x768xf32, #tpu.memory_space<vmem>>, vector<1x16xf32>,
        %parallel_loop3A_221 = arith.index_cast %parallel_loop3A_22 : i32 to index
        %parallel_loop3A_222 = arith.constant 352 : index
        %parallel_loop3A_223 = tpu.vector_load %arg8[%parallel_loop3A_221, %parallel_loop3A_222] {strides = array<i32>} : memref<64x768xf32, #tpu.memory_space<vmem>>, vector<1x16xf32>,
        %parallel_loop3A_224 = vector.shape_cast %parallel_loop3A_223 : vector<1x16xf32> to vector<16xf32>
        %parallel_loop3A_225 = arith.index_cast %parallel_loop3A_22 : i32 to index
        %parallel_loop3A_226 = arith.constant 352 : index
        %parallel_loop3A_227 = tpu.vector_load %arg7[%parallel_loop3A_225, %parallel_loop3A_226] {strides = array<i32>} : memref<64x768xf32, #tpu.memory_space<vmem>>, vector<1x16xf32>,
        %parallel_loop3A_228 = vector.shape_cast %parallel_loop3A_227 : vector<1x16xf32> to vector<16xf32>
        %parallel_loop3A_229 = vector.shape_cast %parallel_loop3A_224 : vector<16xf32> to vector<1x16xf32>
        tpu.vector_store %arg7[%parallel_loop3A_225, %parallel_loop3A_226], %parallel_loop3A_229 {add = true, strides = array<i32>} : memref<64x768xf32, #tpu.memory_space<vmem>>, vector<1x16xf32>,
        %parallel_loop3A_230 = arith.index_cast %parallel_loop3A_22 : i32 to index
        %parallel_loop3A_231 = arith.constant 368 : index
        %parallel_loop3A_232 = tpu.vector_load %arg8[%parallel_loop3A_230, %parallel_loop3A_231] {strides = array<i32>} : memref<64x768xf32, #tpu.memory_space<vmem>>, vector<1x16xf32>,
        %parallel_loop3A_233 = vector.shape_cast %parallel_loop3A_232 : vector<1x16xf32> to vector<16xf32>
        %parallel_loop3A_234 = arith.index_cast %parallel_loop3A_22 : i32 to index
        %parallel_loop3A_235 = arith.constant 368 : index
        %parallel_loop3A_236 = tpu.vector_load %arg7[%parallel_loop3A_234, %parallel_loop3A_235] {strides = array<i32>} : memref<64x768xf32, #tpu.memory_space<vmem>>, vector<1x16xf32>,
        %parallel_loop3A_237 = vector.shape_cast %parallel_loop3A_236 : vector<1x16xf32> to vector<16xf32>
        %parallel_loop3A_238 = vector.shape_cast %parallel_loop3A_233 : vector<16xf32> to vector<1x16xf32>
        tpu.vector_store %arg7[%parallel_loop3A_234, %parallel_loop3A_235], %parallel_loop3A_238 {add = true, strides = array<i32>} : memref<64x768xf32, #tpu.memory_space<vmem>>, vector<1x16xf32>,
        %parallel_loop3A_239 = arith.index_cast %parallel_loop3A_22 : i32 to index
        %parallel_loop3A_240 = arith.constant 384 : index
        %parallel_loop3A_241 = tpu.vector_load %arg8[%parallel_loop3A_239, %parallel_loop3A_240] {strides = array<i32>} : memref<64x768xf32, #tpu.memory_space<vmem>>, vector<1x16xf32>,
        %parallel_loop3A_242 = vector.shape_cast %parallel_loop3A_241 : vector<1x16xf32> to vector<16xf32>
        %parallel_loop3A_243 = arith.index_cast %parallel_loop3A_22 : i32 to index
        %parallel_loop3A_244 = arith.constant 384 : index
        %parallel_loop3A_245 = tpu.vector_load %arg7[%parallel_loop3A_243, %parallel_loop3A_244] {strides = array<i32>} : memref<64x768xf32, #tpu.memory_space<vmem>>, vector<1x16xf32>,
        %parallel_loop3A_246 = vector.shape_cast %parallel_loop3A_245 : vector<1x16xf32> to vector<16xf32>
        %parallel_loop3A_247 = vector.shape_cast %parallel_loop3A_242 : vector<16xf32> to vector<1x16xf32>
        tpu.vector_store %arg7[%parallel_loop3A_243, %parallel_loop3A_244], %parallel_loop3A_247 {add = true, strides = array<i32>} : memref<64x768xf32, #tpu.memory_space<vmem>>, vector<1x16xf32>,
        %parallel_loop3A_248 = arith.index_cast %parallel_loop3A_22 : i32 to index
        %parallel_loop3A_249 = arith.constant 400 : index
        %parallel_loop3A_250 = tpu.vector_load %arg8[%parallel_loop3A_248, %parallel_loop3A_249] {strides = array<i32>} : memref<64x768xf32, #tpu.memory_space<vmem>>, vector<1x16xf32>,
        %parallel_loop3A_251 = vector.shape_cast %parallel_loop3A_250 : vector<1x16xf32> to vector<16xf32>
        %parallel_loop3A_252 = arith.index_cast %parallel_loop3A_22 : i32 to index
        %parallel_loop3A_253 = arith.constant 400 : index
        %parallel_loop3A_254 = tpu.vector_load %arg7[%parallel_loop3A_252, %parallel_loop3A_253] {strides = array<i32>} : memref<64x768xf32, #tpu.memory_space<vmem>>, vector<1x16xf32>,
        %parallel_loop3A_255 = vector.shape_cast %parallel_loop3A_254 : vector<1x16xf32> to vector<16xf32>
        %parallel_loop3A_256 = vector.shape_cast %parallel_loop3A_251 : vector<16xf32> to vector<1x16xf32>
        tpu.vector_store %arg7[%parallel_loop3A_252, %parallel_loop3A_253], %parallel_loop3A_256 {add = true, strides = array<i32>} : memref<64x768xf32, #tpu.memory_space<vmem>>, vector<1x16xf32>,
        %parallel_loop3A_257 = arith.index_cast %parallel_loop3A_22 : i32 to index
        %parallel_loop3A_258 = arith.constant 416 : index
        %parallel_loop3A_259 = tpu.vector_load %arg8[%parallel_loop3A_257, %parallel_loop3A_258] {strides = array<i32>} : memref<64x768xf32, #tpu.memory_space<vmem>>, vector<1x16xf32>,
        %parallel_loop3A_260 = vector.shape_cast %parallel_loop3A_259 : vector<1x16xf32> to vector<16xf32>
        %parallel_loop3A_261 = arith.index_cast %parallel_loop3A_22 : i32 to index
        %parallel_loop3A_262 = arith.constant 416 : index
        %parallel_loop3A_263 = tpu.vector_load %arg7[%parallel_loop3A_261, %parallel_loop3A_262] {strides = array<i32>} : memref<64x768xf32, #tpu.memory_space<vmem>>, vector<1x16xf32>,
        %parallel_loop3A_264 = vector.shape_cast %parallel_loop3A_263 : vector<1x16xf32> to vector<16xf32>
        %parallel_loop3A_265 = vector.shape_cast %parallel_loop3A_260 : vector<16xf32> to vector<1x16xf32>
        tpu.vector_store %arg7[%parallel_loop3A_261, %parallel_loop3A_262], %parallel_loop3A_265 {add = true, strides = array<i32>} : memref<64x768xf32, #tpu.memory_space<vmem>>, vector<1x16xf32>,
        %parallel_loop3A_266 = arith.index_cast %parallel_loop3A_22 : i32 to index
        %parallel_loop3A_267 = arith.constant 432 : index
        %parallel_loop3A_268 = tpu.vector_load %arg8[%parallel_loop3A_266, %parallel_loop3A_267] {strides = array<i32>} : memref<64x768xf32, #tpu.memory_space<vmem>>, vector<1x16xf32>,
        %parallel_loop3A_269 = vector.shape_cast %parallel_loop3A_268 : vector<1x16xf32> to vector<16xf32>
        %parallel_loop3A_270 = arith.index_cast %parallel_loop3A_22 : i32 to index
        %parallel_loop3A_271 = arith.constant 432 : index
        %parallel_loop3A_272 = tpu.vector_load %arg7[%parallel_loop3A_270, %parallel_loop3A_271] {strides = array<i32>} : memref<64x768xf32, #tpu.memory_space<vmem>>, vector<1x16xf32>,
        %parallel_loop3A_273 = vector.shape_cast %parallel_loop3A_272 : vector<1x16xf32> to vector<16xf32>
        %parallel_loop3A_274 = vector.shape_cast %parallel_loop3A_269 : vector<16xf32> to vector<1x16xf32>
        tpu.vector_store %arg7[%parallel_loop3A_270, %parallel_loop3A_271], %parallel_loop3A_274 {add = true, strides = array<i32>} : memref<64x768xf32, #tpu.memory_space<vmem>>, vector<1x16xf32>,
        %parallel_loop3A_275 = arith.index_cast %parallel_loop3A_22 : i32 to index
        %parallel_loop3A_276 = arith.constant 448 : index
        %parallel_loop3A_277 = tpu.vector_load %arg8[%parallel_loop3A_275, %parallel_loop3A_276] {strides = array<i32>} : memref<64x768xf32, #tpu.memory_space<vmem>>, vector<1x16xf32>,
        %parallel_loop3A_278 = vector.shape_cast %parallel_loop3A_277 : vector<1x16xf32> to vector<16xf32>
        %parallel_loop3A_279 = arith.index_cast %parallel_loop3A_22 : i32 to index
        %parallel_loop3A_280 = arith.constant 448 : index
        %parallel_loop3A_281 = tpu.vector_load %arg7[%parallel_loop3A_279, %parallel_loop3A_280] {strides = array<i32>} : memref<64x768xf32, #tpu.memory_space<vmem>>, vector<1x16xf32>,
        %parallel_loop3A_282 = vector.shape_cast %parallel_loop3A_281 : vector<1x16xf32> to vector<16xf32>
        %parallel_loop3A_283 = vector.shape_cast %parallel_loop3A_278 : vector<16xf32> to vector<1x16xf32>
        tpu.vector_store %arg7[%parallel_loop3A_279, %parallel_loop3A_280], %parallel_loop3A_283 {add = true, strides = array<i32>} : memref<64x768xf32, #tpu.memory_space<vmem>>, vector<1x16xf32>,
        %parallel_loop3A_284 = arith.index_cast %parallel_loop3A_22 : i32 to index
        %parallel_loop3A_285 = arith.constant 464 : index
        %parallel_loop3A_286 = tpu.vector_load %arg8[%parallel_loop3A_284, %parallel_loop3A_285] {strides = array<i32>} : memref<64x768xf32, #tpu.memory_space<vmem>>, vector<1x16xf32>,
        %parallel_loop3A_287 = vector.shape_cast %parallel_loop3A_286 : vector<1x16xf32> to vector<16xf32>
        %parallel_loop3A_288 = arith.index_cast %parallel_loop3A_22 : i32 to index
        %parallel_loop3A_289 = arith.constant 464 : index
        %parallel_loop3A_290 = tpu.vector_load %arg7[%parallel_loop3A_288, %parallel_loop3A_289] {strides = array<i32>} : memref<64x768xf32, #tpu.memory_space<vmem>>, vector<1x16xf32>,
        %parallel_loop3A_291 = vector.shape_cast %parallel_loop3A_290 : vector<1x16xf32> to vector<16xf32>
        %parallel_loop3A_292 = vector.shape_cast %parallel_loop3A_287 : vector<16xf32> to vector<1x16xf32>
        tpu.vector_store %arg7[%parallel_loop3A_288, %parallel_loop3A_289], %parallel_loop3A_292 {add = true, strides = array<i32>} : memref<64x768xf32, #tpu.memory_space<vmem>>, vector<1x16xf32>,
        %parallel_loop3A_293 = arith.index_cast %parallel_loop3A_22 : i32 to index
        %parallel_loop3A_294 = arith.constant 480 : index
        %parallel_loop3A_295 = tpu.vector_load %arg8[%parallel_loop3A_293, %parallel_loop3A_294] {strides = array<i32>} : memref<64x768xf32, #tpu.memory_space<vmem>>, vector<1x16xf32>,
        %parallel_loop3A_296 = vector.shape_cast %parallel_loop3A_295 : vector<1x16xf32> to vector<16xf32>
        %parallel_loop3A_297 = arith.index_cast %parallel_loop3A_22 : i32 to index
        %parallel_loop3A_298 = arith.constant 480 : index
        %parallel_loop3A_299 = tpu.vector_load %arg7[%parallel_loop3A_297, %parallel_loop3A_298] {strides = array<i32>} : memref<64x768xf32, #tpu.memory_space<vmem>>, vector<1x16xf32>,
        %parallel_loop3A_300 = vector.shape_cast %parallel_loop3A_299 : vector<1x16xf32> to vector<16xf32>
        %parallel_loop3A_301 = vector.shape_cast %parallel_loop3A_296 : vector<16xf32> to vector<1x16xf32>
        tpu.vector_store %arg7[%parallel_loop3A_297, %parallel_loop3A_298], %parallel_loop3A_301 {add = true, strides = array<i32>} : memref<64x768xf32, #tpu.memory_space<vmem>>, vector<1x16xf32>,
        %parallel_loop3A_302 = arith.index_cast %parallel_loop3A_22 : i32 to index
        %parallel_loop3A_303 = arith.constant 496 : index
        %parallel_loop3A_304 = tpu.vector_load %arg8[%parallel_loop3A_302, %parallel_loop3A_303] {strides = array<i32>} : memref<64x768xf32, #tpu.memory_space<vmem>>, vector<1x16xf32>,
        %parallel_loop3A_305 = vector.shape_cast %parallel_loop3A_304 : vector<1x16xf32> to vector<16xf32>
        %parallel_loop3A_306 = arith.index_cast %parallel_loop3A_22 : i32 to index
        %parallel_loop3A_307 = arith.constant 496 : index
        %parallel_loop3A_308 = tpu.vector_load %arg7[%parallel_loop3A_306, %parallel_loop3A_307] {strides = array<i32>} : memref<64x768xf32, #tpu.memory_space<vmem>>, vector<1x16xf32>,
        %parallel_loop3A_309 = vector.shape_cast %parallel_loop3A_308 : vector<1x16xf32> to vector<16xf32>
        %parallel_loop3A_310 = vector.shape_cast %parallel_loop3A_305 : vector<16xf32> to vector<1x16xf32>
        tpu.vector_store %arg7[%parallel_loop3A_306, %parallel_loop3A_307], %parallel_loop3A_310 {add = true, strides = array<i32>} : memref<64x768xf32, #tpu.memory_space<vmem>>, vector<1x16xf32>,
        %parallel_loop3A_311 = arith.index_cast %parallel_loop3A_22 : i32 to index
        %parallel_loop3A_312 = arith.constant 512 : index
        %parallel_loop3A_313 = tpu.vector_load %arg8[%parallel_loop3A_311, %parallel_loop3A_312] {strides = array<i32>} : memref<64x768xf32, #tpu.memory_space<vmem>>, vector<1x16xf32>,
        %parallel_loop3A_314 = vector.shape_cast %parallel_loop3A_313 : vector<1x16xf32> to vector<16xf32>
        %parallel_loop3A_315 = arith.index_cast %parallel_loop3A_22 : i32 to index
        %parallel_loop3A_316 = arith.constant 512 : index
        %parallel_loop3A_317 = tpu.vector_load %arg7[%parallel_loop3A_315, %parallel_loop3A_316] {strides = array<i32>} : memref<64x768xf32, #tpu.memory_space<vmem>>, vector<1x16xf32>,
        %parallel_loop3A_318 = vector.shape_cast %parallel_loop3A_317 : vector<1x16xf32> to vector<16xf32>
        %parallel_loop3A_319 = vector.shape_cast %parallel_loop3A_314 : vector<16xf32> to vector<1x16xf32>
        tpu.vector_store %arg7[%parallel_loop3A_315, %parallel_loop3A_316], %parallel_loop3A_319 {add = true, strides = array<i32>} : memref<64x768xf32, #tpu.memory_space<vmem>>, vector<1x16xf32>,
        %parallel_loop3A_320 = arith.index_cast %parallel_loop3A_22 : i32 to index
        %parallel_loop3A_321 = arith.constant 528 : index
        %parallel_loop3A_322 = tpu.vector_load %arg8[%parallel_loop3A_320, %parallel_loop3A_321] {strides = array<i32>} : memref<64x768xf32, #tpu.memory_space<vmem>>, vector<1x16xf32>,
        %parallel_loop3A_323 = vector.shape_cast %parallel_loop3A_322 : vector<1x16xf32> to vector<16xf32>
        %parallel_loop3A_324 = arith.index_cast %parallel_loop3A_22 : i32 to index
        %parallel_loop3A_325 = arith.constant 528 : index
        %parallel_loop3A_326 = tpu.vector_load %arg7[%parallel_loop3A_324, %parallel_loop3A_325] {strides = array<i32>} : memref<64x768xf32, #tpu.memory_space<vmem>>, vector<1x16xf32>,
        %parallel_loop3A_327 = vector.shape_cast %parallel_loop3A_326 : vector<1x16xf32> to vector<16xf32>
        %parallel_loop3A_328 = vector.shape_cast %parallel_loop3A_323 : vector<16xf32> to vector<1x16xf32>
        tpu.vector_store %arg7[%parallel_loop3A_324, %parallel_loop3A_325], %parallel_loop3A_328 {add = true, strides = array<i32>} : memref<64x768xf32, #tpu.memory_space<vmem>>, vector<1x16xf32>,
        %parallel_loop3A_329 = arith.index_cast %parallel_loop3A_22 : i32 to index
        %parallel_loop3A_330 = arith.constant 544 : index
        %parallel_loop3A_331 = tpu.vector_load %arg8[%parallel_loop3A_329, %parallel_loop3A_330] {strides = array<i32>} : memref<64x768xf32, #tpu.memory_space<vmem>>, vector<1x16xf32>,
        %parallel_loop3A_332 = vector.shape_cast %parallel_loop3A_331 : vector<1x16xf32> to vector<16xf32>
        %parallel_loop3A_333 = arith.index_cast %parallel_loop3A_22 : i32 to index
        %parallel_loop3A_334 = arith.constant 544 : index
        %parallel_loop3A_335 = tpu.vector_load %arg7[%parallel_loop3A_333, %parallel_loop3A_334] {strides = array<i32>} : memref<64x768xf32, #tpu.memory_space<vmem>>, vector<1x16xf32>,
        %parallel_loop3A_336 = vector.shape_cast %parallel_loop3A_335 : vector<1x16xf32> to vector<16xf32>
        %parallel_loop3A_337 = vector.shape_cast %parallel_loop3A_332 : vector<16xf32> to vector<1x16xf32>
        tpu.vector_store %arg7[%parallel_loop3A_333, %parallel_loop3A_334], %parallel_loop3A_337 {add = true, strides = array<i32>} : memref<64x768xf32, #tpu.memory_space<vmem>>, vector<1x16xf32>,
        %parallel_loop3A_338 = arith.index_cast %parallel_loop3A_22 : i32 to index
        %parallel_loop3A_339 = arith.constant 560 : index
        %parallel_loop3A_340 = tpu.vector_load %arg8[%parallel_loop3A_338, %parallel_loop3A_339] {strides = array<i32>} : memref<64x768xf32, #tpu.memory_space<vmem>>, vector<1x16xf32>,
        %parallel_loop3A_341 = vector.shape_cast %parallel_loop3A_340 : vector<1x16xf32> to vector<16xf32>
        %parallel_loop3A_342 = arith.index_cast %parallel_loop3A_22 : i32 to index
        %parallel_loop3A_343 = arith.constant 560 : index
        %parallel_loop3A_344 = tpu.vector_load %arg7[%parallel_loop3A_342, %parallel_loop3A_343] {strides = array<i32>} : memref<64x768xf32, #tpu.memory_space<vmem>>, vector<1x16xf32>,
        %parallel_loop3A_345 = vector.shape_cast %parallel_loop3A_344 : vector<1x16xf32> to vector<16xf32>
        %parallel_loop3A_346 = vector.shape_cast %parallel_loop3A_341 : vector<16xf32> to vector<1x16xf32>
        tpu.vector_store %arg7[%parallel_loop3A_342, %parallel_loop3A_343], %parallel_loop3A_346 {add = true, strides = array<i32>} : memref<64x768xf32, #tpu.memory_space<vmem>>, vector<1x16xf32>,
        %parallel_loop3A_347 = arith.index_cast %parallel_loop3A_22 : i32 to index
        %parallel_loop3A_348 = arith.constant 576 : index
        %parallel_loop3A_349 = tpu.vector_load %arg8[%parallel_loop3A_347, %parallel_loop3A_348] {strides = array<i32>} : memref<64x768xf32, #tpu.memory_space<vmem>>, vector<1x16xf32>,
        %parallel_loop3A_350 = vector.shape_cast %parallel_loop3A_349 : vector<1x16xf32> to vector<16xf32>
        %parallel_loop3A_351 = arith.index_cast %parallel_loop3A_22 : i32 to index
        %parallel_loop3A_352 = arith.constant 576 : index
        %parallel_loop3A_353 = tpu.vector_load %arg7[%parallel_loop3A_351, %parallel_loop3A_352] {strides = array<i32>} : memref<64x768xf32, #tpu.memory_space<vmem>>, vector<1x16xf32>,
        %parallel_loop3A_354 = vector.shape_cast %parallel_loop3A_353 : vector<1x16xf32> to vector<16xf32>
        %parallel_loop3A_355 = vector.shape_cast %parallel_loop3A_350 : vector<16xf32> to vector<1x16xf32>
        tpu.vector_store %arg7[%parallel_loop3A_351, %parallel_loop3A_352], %parallel_loop3A_355 {add = true, strides = array<i32>} : memref<64x768xf32, #tpu.memory_space<vmem>>, vector<1x16xf32>,
        %parallel_loop3A_356 = arith.index_cast %parallel_loop3A_22 : i32 to index
        %parallel_loop3A_357 = arith.constant 592 : index
        %parallel_loop3A_358 = tpu.vector_load %arg8[%parallel_loop3A_356, %parallel_loop3A_357] {strides = array<i32>} : memref<64x768xf32, #tpu.memory_space<vmem>>, vector<1x16xf32>,
        %parallel_loop3A_359 = vector.shape_cast %parallel_loop3A_358 : vector<1x16xf32> to vector<16xf32>
        %parallel_loop3A_360 = arith.index_cast %parallel_loop3A_22 : i32 to index
        %parallel_loop3A_361 = arith.constant 592 : index
        %parallel_loop3A_362 = tpu.vector_load %arg7[%parallel_loop3A_360, %parallel_loop3A_361] {strides = array<i32>} : memref<64x768xf32, #tpu.memory_space<vmem>>, vector<1x16xf32>,
        %parallel_loop3A_363 = vector.shape_cast %parallel_loop3A_362 : vector<1x16xf32> to vector<16xf32>
        %parallel_loop3A_364 = vector.shape_cast %parallel_loop3A_359 : vector<16xf32> to vector<1x16xf32>
        tpu.vector_store %arg7[%parallel_loop3A_360, %parallel_loop3A_361], %parallel_loop3A_364 {add = true, strides = array<i32>} : memref<64x768xf32, #tpu.memory_space<vmem>>, vector<1x16xf32>,
        %parallel_loop3A_365 = arith.index_cast %parallel_loop3A_22 : i32 to index
        %parallel_loop3A_366 = arith.constant 608 : index
        %parallel_loop3A_367 = tpu.vector_load %arg8[%parallel_loop3A_365, %parallel_loop3A_366] {strides = array<i32>} : memref<64x768xf32, #tpu.memory_space<vmem>>, vector<1x16xf32>,
        %parallel_loop3A_368 = vector.shape_cast %parallel_loop3A_367 : vector<1x16xf32> to vector<16xf32>
        %parallel_loop3A_369 = arith.index_cast %parallel_loop3A_22 : i32 to index
        %parallel_loop3A_370 = arith.constant 608 : index
        %parallel_loop3A_371 = tpu.vector_load %arg7[%parallel_loop3A_369, %parallel_loop3A_370] {strides = array<i32>} : memref<64x768xf32, #tpu.memory_space<vmem>>, vector<1x16xf32>,
        %parallel_loop3A_372 = vector.shape_cast %parallel_loop3A_371 : vector<1x16xf32> to vector<16xf32>
        %parallel_loop3A_373 = vector.shape_cast %parallel_loop3A_368 : vector<16xf32> to vector<1x16xf32>
        tpu.vector_store %arg7[%parallel_loop3A_369, %parallel_loop3A_370], %parallel_loop3A_373 {add = true, strides = array<i32>} : memref<64x768xf32, #tpu.memory_space<vmem>>, vector<1x16xf32>,
        %parallel_loop3A_374 = arith.index_cast %parallel_loop3A_22 : i32 to index
        %parallel_loop3A_375 = arith.constant 624 : index
        %parallel_loop3A_376 = tpu.vector_load %arg8[%parallel_loop3A_374, %parallel_loop3A_375] {strides = array<i32>} : memref<64x768xf32, #tpu.memory_space<vmem>>, vector<1x16xf32>,
        %parallel_loop3A_377 = vector.shape_cast %parallel_loop3A_376 : vector<1x16xf32> to vector<16xf32>
        %parallel_loop3A_378 = arith.index_cast %parallel_loop3A_22 : i32 to index
        %parallel_loop3A_379 = arith.constant 624 : index
        %parallel_loop3A_380 = tpu.vector_load %arg7[%parallel_loop3A_378, %parallel_loop3A_379] {strides = array<i32>} : memref<64x768xf32, #tpu.memory_space<vmem>>, vector<1x16xf32>,
        %parallel_loop3A_381 = vector.shape_cast %parallel_loop3A_380 : vector<1x16xf32> to vector<16xf32>
        %parallel_loop3A_382 = vector.shape_cast %parallel_loop3A_377 : vector<16xf32> to vector<1x16xf32>
        tpu.vector_store %arg7[%parallel_loop3A_378, %parallel_loop3A_379], %parallel_loop3A_382 {add = true, strides = array<i32>} : memref<64x768xf32, #tpu.memory_space<vmem>>, vector<1x16xf32>,
        %parallel_loop3A_383 = arith.index_cast %parallel_loop3A_22 : i32 to index
        %parallel_loop3A_384 = arith.constant 640 : index
        %parallel_loop3A_385 = tpu.vector_load %arg8[%parallel_loop3A_383, %parallel_loop3A_384] {strides = array<i32>} : memref<64x768xf32, #tpu.memory_space<vmem>>, vector<1x16xf32>,
        %parallel_loop3A_386 = vector.shape_cast %parallel_loop3A_385 : vector<1x16xf32> to vector<16xf32>
        %parallel_loop3A_387 = arith.index_cast %parallel_loop3A_22 : i32 to index
        %parallel_loop3A_388 = arith.constant 640 : index
        %parallel_loop3A_389 = tpu.vector_load %arg7[%parallel_loop3A_387, %parallel_loop3A_388] {strides = array<i32>} : memref<64x768xf32, #tpu.memory_space<vmem>>, vector<1x16xf32>,
        %parallel_loop3A_390 = vector.shape_cast %parallel_loop3A_389 : vector<1x16xf32> to vector<16xf32>
        %parallel_loop3A_391 = vector.shape_cast %parallel_loop3A_386 : vector<16xf32> to vector<1x16xf32>
        tpu.vector_store %arg7[%parallel_loop3A_387, %parallel_loop3A_388], %parallel_loop3A_391 {add = true, strides = array<i32>} : memref<64x768xf32, #tpu.memory_space<vmem>>, vector<1x16xf32>,
        %parallel_loop3A_392 = arith.index_cast %parallel_loop3A_22 : i32 to index
        %parallel_loop3A_393 = arith.constant 656 : index
        %parallel_loop3A_394 = tpu.vector_load %arg8[%parallel_loop3A_392, %parallel_loop3A_393] {strides = array<i32>} : memref<64x768xf32, #tpu.memory_space<vmem>>, vector<1x16xf32>,
        %parallel_loop3A_395 = vector.shape_cast %parallel_loop3A_394 : vector<1x16xf32> to vector<16xf32>
        %parallel_loop3A_396 = arith.index_cast %parallel_loop3A_22 : i32 to index
        %parallel_loop3A_397 = arith.constant 656 : index
        %parallel_loop3A_398 = tpu.vector_load %arg7[%parallel_loop3A_396, %parallel_loop3A_397] {strides = array<i32>} : memref<64x768xf32, #tpu.memory_space<vmem>>, vector<1x16xf32>,
        %parallel_loop3A_399 = vector.shape_cast %parallel_loop3A_398 : vector<1x16xf32> to vector<16xf32>
        %parallel_loop3A_400 = vector.shape_cast %parallel_loop3A_395 : vector<16xf32> to vector<1x16xf32>
        tpu.vector_store %arg7[%parallel_loop3A_396, %parallel_loop3A_397], %parallel_loop3A_400 {add = true, strides = array<i32>} : memref<64x768xf32, #tpu.memory_space<vmem>>, vector<1x16xf32>,
        %parallel_loop3A_401 = arith.index_cast %parallel_loop3A_22 : i32 to index
        %parallel_loop3A_402 = arith.constant 672 : index
        %parallel_loop3A_403 = tpu.vector_load %arg8[%parallel_loop3A_401, %parallel_loop3A_402] {strides = array<i32>} : memref<64x768xf32, #tpu.memory_space<vmem>>, vector<1x16xf32>,
        %parallel_loop3A_404 = vector.shape_cast %parallel_loop3A_403 : vector<1x16xf32> to vector<16xf32>
        %parallel_loop3A_405 = arith.index_cast %parallel_loop3A_22 : i32 to index
        %parallel_loop3A_406 = arith.constant 672 : index
        %parallel_loop3A_407 = tpu.vector_load %arg7[%parallel_loop3A_405, %parallel_loop3A_406] {strides = array<i32>} : memref<64x768xf32, #tpu.memory_space<vmem>>, vector<1x16xf32>,
        %parallel_loop3A_408 = vector.shape_cast %parallel_loop3A_407 : vector<1x16xf32> to vector<16xf32>
        %parallel_loop3A_409 = vector.shape_cast %parallel_loop3A_404 : vector<16xf32> to vector<1x16xf32>
        tpu.vector_store %arg7[%parallel_loop3A_405, %parallel_loop3A_406], %parallel_loop3A_409 {add = true, strides = array<i32>} : memref<64x768xf32, #tpu.memory_space<vmem>>, vector<1x16xf32>,
        %parallel_loop3A_410 = arith.index_cast %parallel_loop3A_22 : i32 to index
        %parallel_loop3A_411 = arith.constant 688 : index
        %parallel_loop3A_412 = tpu.vector_load %arg8[%parallel_loop3A_410, %parallel_loop3A_411] {strides = array<i32>} : memref<64x768xf32, #tpu.memory_space<vmem>>, vector<1x16xf32>,
        %parallel_loop3A_413 = vector.shape_cast %parallel_loop3A_412 : vector<1x16xf32> to vector<16xf32>
        %parallel_loop3A_414 = arith.index_cast %parallel_loop3A_22 : i32 to index
        %parallel_loop3A_415 = arith.constant 688 : index
        %parallel_loop3A_416 = tpu.vector_load %arg7[%parallel_loop3A_414, %parallel_loop3A_415] {strides = array<i32>} : memref<64x768xf32, #tpu.memory_space<vmem>>, vector<1x16xf32>,
        %parallel_loop3A_417 = vector.shape_cast %parallel_loop3A_416 : vector<1x16xf32> to vector<16xf32>
        %parallel_loop3A_418 = vector.shape_cast %parallel_loop3A_413 : vector<16xf32> to vector<1x16xf32>
        tpu.vector_store %arg7[%parallel_loop3A_414, %parallel_loop3A_415], %parallel_loop3A_418 {add = true, strides = array<i32>} : memref<64x768xf32, #tpu.memory_space<vmem>>, vector<1x16xf32>,
        %parallel_loop3A_419 = arith.index_cast %parallel_loop3A_22 : i32 to index
        %parallel_loop3A_420 = arith.constant 704 : index
        %parallel_loop3A_421 = tpu.vector_load %arg8[%parallel_loop3A_419, %parallel_loop3A_420] {strides = array<i32>} : memref<64x768xf32, #tpu.memory_space<vmem>>, vector<1x16xf32>,
        %parallel_loop3A_422 = vector.shape_cast %parallel_loop3A_421 : vector<1x16xf32> to vector<16xf32>
        %parallel_loop3A_423 = arith.index_cast %parallel_loop3A_22 : i32 to index
        %parallel_loop3A_424 = arith.constant 704 : index
        %parallel_loop3A_425 = tpu.vector_load %arg7[%parallel_loop3A_423, %parallel_loop3A_424] {strides = array<i32>} : memref<64x768xf32, #tpu.memory_space<vmem>>, vector<1x16xf32>,
        %parallel_loop3A_426 = vector.shape_cast %parallel_loop3A_425 : vector<1x16xf32> to vector<16xf32>
        %parallel_loop3A_427 = vector.shape_cast %parallel_loop3A_422 : vector<16xf32> to vector<1x16xf32>
        tpu.vector_store %arg7[%parallel_loop3A_423, %parallel_loop3A_424], %parallel_loop3A_427 {add = true, strides = array<i32>} : memref<64x768xf32, #tpu.memory_space<vmem>>, vector<1x16xf32>,
        %parallel_loop3A_428 = arith.index_cast %parallel_loop3A_22 : i32 to index
        %parallel_loop3A_429 = arith.constant 720 : index
        %parallel_loop3A_430 = tpu.vector_load %arg8[%parallel_loop3A_428, %parallel_loop3A_429] {strides = array<i32>} : memref<64x768xf32, #tpu.memory_space<vmem>>, vector<1x16xf32>,
        %parallel_loop3A_431 = vector.shape_cast %parallel_loop3A_430 : vector<1x16xf32> to vector<16xf32>
        %parallel_loop3A_432 = arith.index_cast %parallel_loop3A_22 : i32 to index
        %parallel_loop3A_433 = arith.constant 720 : index
        %parallel_loop3A_434 = tpu.vector_load %arg7[%parallel_loop3A_432, %parallel_loop3A_433] {strides = array<i32>} : memref<64x768xf32, #tpu.memory_space<vmem>>, vector<1x16xf32>,
        %parallel_loop3A_435 = vector.shape_cast %parallel_loop3A_434 : vector<1x16xf32> to vector<16xf32>
        %parallel_loop3A_436 = vector.shape_cast %parallel_loop3A_431 : vector<16xf32> to vector<1x16xf32>
        tpu.vector_store %arg7[%parallel_loop3A_432, %parallel_loop3A_433], %parallel_loop3A_436 {add = true, strides = array<i32>} : memref<64x768xf32, #tpu.memory_space<vmem>>, vector<1x16xf32>,
        %parallel_loop3A_437 = arith.index_cast %parallel_loop3A_22 : i32 to index
        %parallel_loop3A_438 = arith.constant 736 : index
        %parallel_loop3A_439 = tpu.vector_load %arg8[%parallel_loop3A_437, %parallel_loop3A_438] {strides = array<i32>} : memref<64x768xf32, #tpu.memory_space<vmem>>, vector<1x16xf32>,
        %parallel_loop3A_440 = vector.shape_cast %parallel_loop3A_439 : vector<1x16xf32> to vector<16xf32>
        %parallel_loop3A_441 = arith.index_cast %parallel_loop3A_22 : i32 to index
        %parallel_loop3A_442 = arith.constant 736 : index
        %parallel_loop3A_443 = tpu.vector_load %arg7[%parallel_loop3A_441, %parallel_loop3A_442] {strides = array<i32>} : memref<64x768xf32, #tpu.memory_space<vmem>>, vector<1x16xf32>,
        %parallel_loop3A_444 = vector.shape_cast %parallel_loop3A_443 : vector<1x16xf32> to vector<16xf32>
        %parallel_loop3A_445 = vector.shape_cast %parallel_loop3A_440 : vector<16xf32> to vector<1x16xf32>
        tpu.vector_store %arg7[%parallel_loop3A_441, %parallel_loop3A_442], %parallel_loop3A_445 {add = true, strides = array<i32>} : memref<64x768xf32, #tpu.memory_space<vmem>>, vector<1x16xf32>,
        %parallel_loop3A_446 = arith.index_cast %parallel_loop3A_22 : i32 to index
        %parallel_loop3A_447 = arith.constant 752 : index
        %parallel_loop3A_448 = tpu.vector_load %arg8[%parallel_loop3A_446, %parallel_loop3A_447] {strides = array<i32>} : memref<64x768xf32, #tpu.memory_space<vmem>>, vector<1x16xf32>,
        %parallel_loop3A_449 = vector.shape_cast %parallel_loop3A_448 : vector<1x16xf32> to vector<16xf32>
        %parallel_loop3A_450 = arith.index_cast %parallel_loop3A_22 : i32 to index
        %parallel_loop3A_451 = arith.constant 752 : index
        %parallel_loop3A_452 = tpu.vector_load %arg7[%parallel_loop3A_450, %parallel_loop3A_451] {strides = array<i32>} : memref<64x768xf32, #tpu.memory_space<vmem>>, vector<1x16xf32>,
        %parallel_loop3A_453 = vector.shape_cast %parallel_loop3A_452 : vector<1x16xf32> to vector<16xf32>
        %parallel_loop3A_454 = vector.shape_cast %parallel_loop3A_449 : vector<16xf32> to vector<1x16xf32>
        tpu.vector_store %arg7[%parallel_loop3A_450, %parallel_loop3A_451], %parallel_loop3A_454 {add = true, strides = array<i32>} : memref<64x768xf32, #tpu.memory_space<vmem>>, vector<1x16xf32>,
      } {sc.loop_unroll_factor = 2 : i64, sc.parallel_access}
      "tpu.region"() ({
        %run_scoped3A = tpu.sem_alloc : memref<!tpu.dma_semaphore, #tpu.memory_space<semaphore_mem>>
        %dma_start3A_22 = arith.constant 0 : i32
        %dma_start3A_23 = tpu.memref_slice %arg5[%add3A_11, %dma_start3A_22] : memref<32768x768xf32, #tpu.memory_space<hbm>> -> memref<64x768xf32, #tpu.memory_space<hbm>>
        %dma_start3A_24 = arith.constant 0 : i32
        %dma_start3A_25 = tpu.memref_slice %arg5[%add3A_11, %dma_start3A_24] : memref<32768x768xf32, #tpu.memory_space<hbm>> -> memref<64x768xf32, #tpu.memory_space<hbm>>
        tpu.enqueue_dma source(%arg7 : memref<64x768xf32, #tpu.memory_space<vmem>>) target(%dma_start3A_25 : memref<64x768xf32, #tpu.memory_space<hbm>>) target_semaphore(%run_scoped3A : memref<!tpu.dma_semaphore, #tpu.memory_space<semaphore_mem>>)
        %dma_wait3A_26 = arith.constant 0 : i32
        %dma_wait3A_27 = tpu.memref_slice %arg5[%add3A_11, %dma_wait3A_26] : memref<32768x768xf32, #tpu.memory_space<hbm>> -> memref<64x768xf32, #tpu.memory_space<hbm>>
        %dma_wait3A_28 = arith.constant 0 : i32
        %dma_wait3A_29 = tpu.memref_slice %arg5[%add3A_11, %dma_wait3A_28] : memref<32768x768xf32, #tpu.memory_space<hbm>> -> memref<64x768xf32, #tpu.memory_space<hbm>>
        tpu.wait_dma2 semaphore(%run_scoped3A : memref<!tpu.dma_semaphore, #tpu.memory_space<semaphore_mem>>) src(%arg7 : memref<64x768xf32, #tpu.memory_space<vmem>>) dst(%dma_wait3A_29 : memref<64x768xf32, #tpu.memory_space<hbm>>)
        tpu.yield
      }) : () -> ()
    }
    %scan3A_7 = arith.constant 16 : i32
    return
  }
}

</mosaic_0001>

<sc_bundles>
// kernel: _pos_encode.3.cloned.1.call-start
scs
__scs_entry_jumppad:
0x0: {  	(pc) =	sbr.rel $0x88, $3  }
0x1: {  	(tag) =	ssettag $0x0;
	lr =	simm.s32 $0x1  }
0x2: {  	[smem:$0x3F9E] =	sst lr;
	_ =	strace $0xD0000000  }
0x3: {  	_ = 	snop  }
0x4: {  	_ = 	snop  }
0x5: {  	_ = 	snop  }
0x6: {  	_ = 	snop  }
0x7: {  	_ = 	snop  }
__scs_overlays_trampoline_lowered:
0x8: {  	[smem:$0x3FAD] =	sst s0  }
0x9: {  	[smem:$0x3FAE] =	sst s1  }
0xa: {  	[smem:$0x3FAF] =	sst s2  }
0xb: {  	[smem:$0x3FB0] =	sst s3  }
0xc: {  	[smem:$0x3FB1] =	sst s4  }
0xd: {  	[smem:$0x3FB2] =	sst s5  }
0xe: {  	[smem:$0x3FB3] =	sst s6  }
0xf: {  	[smem:$0x3FB4] =	sst s7  }
0x10: {  	[smem:$0x3FB5] =	sst s8  }
0x11: {  	[smem:$0x3FB6] =	sst s9;
	s0 =	simm.s32 @!p0 $0x0  }
0x12: {  	s1 =	sld [smem:$0x3F9C];
	s0 =	simm.s32 @p0 $0x1  }
0x13: {  	[smem:$0x3FB7] =	sst s0;
	s0 =	simm.s32 @!p1 $0x0  }
0x14: {  	s2 =	sld [smem:$0x3F9B];
	s0 =	simm.s32 @p1 $0x1  }
0x15: {  	[smem:$0x3FB8] =	sst s0;
	s0 =	simm.s32 @!p2 $0x0  }
0x16: {  	s3 =	sld [smem:$0x3FDB];
	s0 =	simm.s32 @p2 $0x1  }
0x17: {  	s4 =	simm.s32 $0x1BF5;
	[smem:$0x3FBA] =	sst s0  }
0x18: {  	s0 =	sld [smem:$0x3F9D];
	_ =	swait.ge [sflag:s4], $0x0  }
0x19: {  	s7 =	sld [smem:$0x3F9E]  }
0x1a: {  	s8 =	sadd.s32 $0xFFFFE003, lr  }
0x1b: {  	s9 =	sadd.s32 $0xFFFFFEF7, lr;
	s5 =	simm.s32 $0xFFFFFFFF;
	p2 =	slt.u32 s8, $0xFFFFF086  }
0x1c: {  	p1 =	slt.u32 s9, $0xF7A;
	s5 =	simm.s32 @!p2 $0x0  }
0x1d: {  	s5 =	simm.s32 @p1 $0x1;
	p0 =	seq.s32 s7, s2  }
0x1e: {  	s7 =	smul.u32 @!p0 $0xF7A, s2;
	p2 =	seq.s32 @!p0 s5, $0x0  }
0x1f: {  	s9 =	smul.u32 $0xF7A, s1;
	s8 =	simm.s32 @!p0 $0x1BF5;
	p2 =	por !p2, p0  }
0x20: {  	[sflag:s8] =	ssyncset.s32 @!p0 $0xFFFFF086;
	s6 =	sadd.s32 @!p0 s3, s7;
	s7 =	simm.s32 @!p0 $0x108  }
0x21: {  	s3 =	sadd.s32 s3, s9;
	s6 =	sadd.s32 @!p0 $0x88, s6;
	s7 =	simm.s32 @p2 $0x1082  }
0x22: {  	[simem:s7], [sflag:s8] =	dma.local @!p0 [hbm:s6], $0xF7A  }
0x23: {  	s9 =	sor.u32 $0xD0000000, s2;
	s6 =	simm.s32 $0x108;
	_ =	swait.ge @!p0 [sflag:s8], $0x0  }
0x24: {  	s3 =	sadd.s32 $0x88, s3;
	s6 =	simm.s32 @!p1 $0x1082;
	[sflag:s4] =	ssyncset.s32 $0xFFFFF086  }
0x25: {  	[simem:s6], [sflag:s4] =	dma.local [hbm:s3], $0xF7A  }
0x26: {  	[smem:$0x3F9E] =	sst s1;
	(tag) =	ssettag s2;
	_ =	strace s9  }
0x27: {  	s1 =	sld [smem:$0x3FAE]  }
0x28: {  	s2 =	sld [smem:$0x3FAF]  }
0x29: {  	s4 =	sld [smem:$0x3FB1]  }
0x2a: {  	p0 =	seq.s32 s5, $0x0;
	s5 =	sld [smem:$0x3FB2]  }
0x2b: {  	s6 =	sld [smem:$0x3FB3]  }
0x2c: {  	s7 =	sld [smem:$0x3FB4]  }
0x2d: {  	s3 =	simm.s32 $0x108;
	s8 =	sld [smem:$0x3FB5]  }
0x2e: {  	s3 =	simm.s32 @!p0 $0x1082;
	s9 =	sld [smem:$0x3FB6]  }
0x2f: {  	lr =	sadd.s32 s0, s3;
	s0 =	sld [smem:$0x3FAD]  }
0x30: {  	s3 =	sld [smem:$0x3FB0]  }
0x31: {  	[smem:$0x3FB9] =	sst s10  }
0x32: {  	s10 =	sld [smem:$0x3FB7];
	_ =	sdelay $0x3  }
0x33: {  	p0 =	seq.s32 s10, $0x1;
	s10 =	sld [smem:$0x3FB9];
	_ =	sdelay $0x3  }
0x34: {  	[smem:$0x3FB9] =	sst s10  }
0x35: {  	s10 =	sld [smem:$0x3FB8];
	_ =	sdelay $0x3  }
0x36: {  	p1 =	seq.s32 s10, $0x1;
	s10 =	sld [smem:$0x3FB9];
	_ =	sdelay $0x3  }
0x37: {  	[smem:$0x3FB9] =	sst s10  }
0x38: {  	s10 =	sld [smem:$0x3FBA]  }
0x39: {  	_ = 	snop;
	(pc) =	sbr.ind lr, $3  }
0x3a: {  	_ = 	snop  }
0x3b: {  	_ = 	snop  }
0x3c: {  	p2 =	seq.s32 s10, $0x1;
	s10 =	sld [smem:$0x3FB9]  }
0x3d: {  	_ =	shalt  }
0x3e: {  	_ =	shalt  }
0x3f: {  	_ =	shalt  }
0x40: {  	_ =	shalt  }
0x41: {  	_ =	shalt  }
0x42: {  	_ =	shalt  }
0x43: {  	_ =	shalt  }
0x44: {  	_ =	shalt  }
0x45: {  	_ =	shalt  }
0x46: {  	_ =	shalt  }
0x47: {  	_ =	shalt  }
0x48: {  	_ =	shalt  }
0x49: {  	_ =	shalt  }
0x4a: {  	_ =	shalt  }
0x4b: {  	_ =	shalt  }
0x4c: {  	_ =	shalt  }
0x4d: {  	_ =	shalt  }
0x4e: {  	_ =	shalt  }
0x4f: {  	_ =	shalt  }
0x50: {  	_ =	shalt  }
0x51: {  	_ =	shalt  }
0x52: {  	_ =	shalt  }
0x53: {  	_ =	shalt  }
0x54: {  	_ =	shalt  }
0x55: {  	_ =	shalt  }
0x56: {  	_ =	shalt  }
0x57: {  	_ =	shalt  }
0x58: {  	_ =	shalt  }
0x59: {  	_ =	shalt  }
0x5a: {  	_ =	shalt  }
0x5b: {  	_ =	shalt  }
0x5c: {  	_ =	shalt  }
0x5d: {  	_ =	shalt  }
0x5e: {  	_ =	shalt  }
0x5f: {  	_ =	shalt  }
0x60: {  	_ =	shalt  }
0x61: {  	_ =	shalt  }
0x62: {  	_ =	shalt  }
0x63: {  	_ =	shalt  }
0x64: {  	_ =	shalt  }
0x65: {  	_ =	shalt  }
0x66: {  	_ =	shalt  }
0x67: {  	_ =	shalt  }
0x68: {  	_ =	shalt  }
0x69: {  	_ =	shalt  }
0x6a: {  	_ =	shalt  }
0x6b: {  	_ =	shalt  }
0x6c: {  	_ =	shalt  }
0x6d: {  	_ =	shalt  }
0x6e: {  	_ =	shalt  }
0x6f: {  	_ =	shalt  }
0x70: {  	_ =	shalt  }
0x71: {  	_ =	shalt  }
0x72: {  	_ =	shalt  }
0x73: {  	_ =	shalt  }
0x74: {  	_ =	shalt  }
0x75: {  	_ =	shalt  }
0x76: {  	_ =	shalt  }
0x77: {  	_ =	shalt  }
0x78: {  	_ =	shalt  }
0x79: {  	_ =	shalt  }
0x7a: {  	_ =	shalt  }
0x7b: {  	_ =	shalt  }
0x7c: {  	_ =	shalt  }
0x7d: {  	_ =	shalt  }
0x7e: {  	_ =	shalt  }
0x7f: {  	_ =	shalt  }
0x80: {  	_ =	shalt  }
0x81: {  	_ =	shalt  }
0x82: {  	_ =	shalt  }
0x83: {  	_ =	shalt  }
0x84: {  	_ =	shalt  }
0x85: {  	_ =	shalt  }
0x86: {  	_ =	shalt  }
0x87: {  	_ =	shalt  }
.Lfunc_end0:
.L_simem_size_0:
called_computation_lowered:
.L_overlay_start_0:
0x88: {  	s2 =	sld [smem:$0x3FD9]  }
0x89: {  	s3 =	sld [smem:$0x3FFE];
	_ =	sdelay $0x1  }
0x8a: {  	s1 =	srdreg.scid  }
0x8b: {  	s0 =	sand.u32 $0x1, s1  }
0x8c: {  	s18 =	sshll.u32 s0, $0xA;
	s2 =	sadd.s32 s3, s2  }
0x8d: {  	s2 =	sadd.s32 s2, s18  }
0x8e: {  	[smem:$0x3FC5] =	sst s2  }
0x8f: {  	_ = 	snop  }
0x90: {  	s2 =	sld [smem:$0x3FC9]  }
0x91: {  	s19 =	sld [smem:$0x3FC8]  }
0x92: {  	s4 =	sld [smem:$0x3FC7]  }
0x93: {  	s5 =	sld [smem:$0x3FD0];
	(tm) =	ssettm $0x1  }
0x94: {  	s6 =	sld [smem:$0x3FFB];
	_ =	sdelay $0x3  }
0x95: {  	_ =	strace s6  }
0x96: {  	s6 =	sld [smem:$0x3FFC];
	_ =	sdelay $0x3  }
0x97: {  	_ =	strace s6  }
0x98: {  	s6 =	sld [smem:$0x3FFD];
	_ =	sdelay $0x3  }
0x99: {  	_ =	strace s6  }
0x9a: {  	_ =	strace $0x8FFFFFFF  }
0x9b: {  	s20 =	sld [smem:$0x3FDB];
	_ =	sdelay $0x1  }
0x9c: {  	s7 =	simm.s32 $_scs_section_size  }
0x9d: {  	s8 =	simm.s32 $_size__tile_overlayer_lowered;
	s9 =	simm.s32 $_tile_overlayer_lowered  }
0x9e: {  	s23 =	simm.s32 $0x1BFF;
	s22 =	sshll.u32 s9, $0x1;
	s6 =	sadd.s32 s7, s20  }
0x9f: {  	s10 =	simm.s32 $0x0;
	s21 =	sshll.u32 s8, $0x1;
	s8 =	sadd.s32 s22, s6  }
0xa0: {  	[timem:s10], [sflag:s23] =	dma.local [hbm:s8], s21  }
0xa1: {  	_ =	swait.ge [sflag:s23], s21  }
0xa2: {  	s7 =	ssub.s32 $0x0, s21;
	[sflag:s23] =	ssyncset.done $0x0  }
0xa3: {  	[sflag:s23] =	ssyncadd.s32 s7;
	_ =	sdelay $0x1  }
0xa4: {  	s24 =	simm.s32 $0x1B8B  }
0xa5: {  	_ =	swait.ge [sflag:s24], $0x1  }
0xa6: {  	[sflag:s24] =	ssyncset.done $0x0  }
0xa7: {  	s25 =	simm.s32 $0x1B8E;
	[sflag:s24] =	ssyncadd.s32 $0xFFFFFFFF  }
0xa8: {  	s26 =	simm.s32 $execute0_lowered;
	[smem:$0x3FD2] =	sst s25  }
0xa9: {  	s7 =	sshll.u32 s26, $0x1;
	_ =	strace $0x80000046;
	[dreg:$0x1] =	wrdreg $0xFFFFFFFF  }
0xaa: {  	s28 =	simm.s32 $_size_execute0_lowered;
	s6 =	sadd.s32 s6, s7;
	[dreg:$0x0] =	wrdreg $0x0  }
0xab: {  	s7 =	sshll.u32 s28, $0x1;
	[dreg:$0x2] =	wrdreg s6  }
0xac: {  	[dreg:$0x3] =	wrdreg s7  }
0xad: {  	[dreg:$0x4] =	wrdreg $0xC0  }
0xae: {  	_ =	task [dreg:s10], $0x5FFFF  }
0xaf: {  	[dreg:$0x1] =	wrdreg $0xFFFFFFFF  }
0xb0: {  	[dreg:$0x0] =	wrdreg $0x60  }
0xb1: {  	[dreg:$0x2] =	wrdreg s2  }
0xb2: {  	[dreg:$0x3] =	wrdreg s19  }
0xb3: {  	[dreg:$0x4] =	wrdreg s4  }
0xb4: {  	[dreg:$0x5] =	wrdreg s5  }
0xb5: {  	[dreg:$0x6] =	wrdreg $0x9  }
0xb6: {  	_ =	task.clear_ibuf [dreg:s10], $0x7FFFF;
	_ =	strace $0x90000046  }
0xb7: {  	s29 =	simm.s32 $0x9;
	_ =	strace $0x80000048  }
0xb8: {  	_ =	swait.ge [sflag:s29], $0x1  }
0xb9: {  	[sflag:s29] =	ssyncadd.s32 $0xFFFFFFFF  }
0xba: {  	_ =	strace $0x90000048  }
0xbb: {  	_ =	sfence  }
0xbc: {  	s30 =	sld [smem:$0x0];
	_ =	sdelay $0x2  }
0xbd: {  	s31 =	sshll.u32 s1, $0xD;
	s1 =	sshrl.u32 s1, $0x2  }
0xbe: {  	s3 =	sand.u32 $0x4000, s31;
	s1 =	sadd.s32 s1, s30  }
0xbf: {  	s0 =	sor.u32 s3, s0;
	s1 =	sshll.u32 s1, $0x11  }
0xc0: {  	s0 =	sor.u32 s1, s0  }
0xc1: {  	s0 =	sadd.s32 $0x8F2B, s0  }
0xc2: {  	[sflag:s0] =	ssyncadd.remote.s32 $0x1  }
0xc3: {  	_ =	sfence.sel $0xFFFF  }
0xc4: {  	[dreg:$0x0] =	wrdreg $0xFFFFFFFF;
	(pc) =	sbr.abs _section_cstart, $3  }
0xc5: {  	[dreg:$0x1] =	wrdreg $0xFFFFFFFF  }
0xc6: {  	_ =	task.clear_ibuf [dreg:s10], $0x2FFFF;
	_ =	strace $0x9FFFFFFF  }
0xc7: {  	(tm) =	ssettm $0x7FFFFFFF  }
tec
execute0_lowered:
.L_overlay_start_1:
0x0: {  	(tag) =	ssettag $0x1  }
0x1: {  	s0 =	rddreg [dreg:$0x1]  }
0x2: {  	s3 =	rddreg [dreg:$0x2]  }
0x3: {  	s1 =	srdreg.scid;
	s2 =	stileid.u32;
	s5 =	simm.s32 $0x0  }
0x4: {  	s11 =	simm.s32 $0x2;
	s12 =	simm.s32 $0x1;
	s1 =	sand.u32 $0x1, s1  }
0x5: {  	s2 =	sshll.u32 s2, $0xB;
	[smem:$0x7FF] =	sst s5;
	s4 =	sshll.u32 s1, $0xA  }
0x6: {  	s1 =	ssub.s32 $0x2, s1;
	_ =	strace $0x80000047;
	s4 =	sor.u32 s4, s2  }
0x7: {  	s30 =	sshrl.u32 s1, $0x1;
	[dreg:$0x5] =	wrdreg s4;
	s4 =	sshrl.u32 s4, $0x3  }
0x8: {  	v2 =	vlaneseq.u32;
	s8 =	sadd.s32 $0x100, s3;
	s1 =	ssub.s32 s1, s30;
	s0 =	sadd.s32 s0, s4  }
0x9: {  	vm0 =	vmmov $0xffff;
	s9 =	sadd.s32 $0x200, s3;
	v1 =	vshrl.u32 v2, $0x3;
	s31 =	smax.u32 s1, $0x1;
	[dreg:$0x6] =	wrdreg s0  }
0xa: {  	v0 =	vand.u32 $0x7, v2;
	v2 =	vor.u32 $0x8, v2;
	v1 =	vmul.u32 $0x8, v1;
	s2 =	simm.s32 $0x400;
	s1 =	simm.s32 $0x0;
	[dreg:$0x7] =	wrdreg s31  }
.LBB2_1:
0xb: {  	[dreg:$0x8] =	wrdreg s1  }
0xc: {  	s0 =	simm.s32 $0x0;
	s31 =	rddreg [dreg:$0x6]  }
0xd: {  	[tilespmem:s0], [sflag:$0x2] =	stream.linear.gather [hbm4b:s31+s0], $0x400, $0x38;
	[tilespmem:$0x18400] =	vst v63  }
0xe: {  	_ =	swait.ge [sflag:s11], $0x400  }
0xf: {  	[sflag:s11] =	ssyncset.done $0x0  }
0x10: {  	s13 =	simm.s32 $0x0;
	[sflag:s11] =	ssyncadd.s32 $0xFFFFFC00  }
.LBB2_2:
0x11: {  	s0 =	sshll.u32 s13, $0x6  }
0x12: {  	v3 =	vld [tilespmem:s0+$0x0];
	_ =	sdelay $0x4  }
0x13: {  	v4 =	vshrl.u32 v3, $0x3  }
0x14: {  	v4 =	vmul.u32 $0x30, v4  }
0x15: {  	v3 =	vand.u32 $0x7, v3  }
0x16: {  	v3 =	vor.u32 v3, v4  }
0x17: {  	v4 =	vperm.xlane v3, v0;
	_ =	sdelay $0x1  }
0x18: {  	v4 =	vadd.s32 v1, v4;
	_ =	sdelay $0x3  }
0x19: {  	s14 =	simm.s32 $0x0;
	s1 =	simm.s32 $0xC400;
	v3 =	vperm.xlane v3, v2  }
0x1a: {  	[tilespmem:s1], [sflag:$0x1] =	stream.indirect_vreg.gather [hbm4b:s3+s14], $0x80, v4, vm0, $0xb8;
	[tilespmem:$0x18400] =	vst v63  }
0x1b: {  	s28 =	simm.s32 $0xCC00;
	v3 =	vadd.s32 v1, v3  }
0x1c: {  	[tilespmem:s28], [sflag:$0x1] =	stream.indirect_vreg.gather [hbm4b:s8+s14], $0x80, v4, vm0, $0xb8;
	[tilespmem:$0x18400] =	vst v63  }
0x1d: {  	s29 =	simm.s32 $0xD400  }
0x1e: {  	[tilespmem:s29], [sflag:$0x1] =	stream.indirect_vreg.gather [hbm4b:s9+s14], $0x80, v4, vm0, $0xb8;
	[tilespmem:$0x18400] =	vst v63  }
0x1f: {  	s31 =	simm.s32 $0xDC00  }
0x20: {  	[tilespmem:s31], [sflag:$0x1] =	stream.indirect_vreg.gather [hbm4b:s3+s14], $0x80, v3, vm0, $0xb8;
	[tilespmem:$0x18400] =	vst v63  }
0x21: {  	s4 =	simm.s32 $0xE400  }
0x22: {  	[tilespmem:s4], [sflag:$0x1] =	stream.indirect_vreg.gather [hbm4b:s8+s14], $0x80, v3, vm0, $0xb8;
	[tilespmem:$0x18400] =	vst v63  }
0x23: {  	s5 =	simm.s32 $0xEC00  }
0x24: {  	[tilespmem:s5], [sflag:$0x1] =	stream.indirect_vreg.gather [hbm4b:s9+s14], $0x80, v3, vm0, $0xb8;
	[tilespmem:$0x18400] =	vst v63  }
0x25: {  	v3 =	vld [tilespmem:s0+$0x10];
	_ =	sdelay $0x4  }
0x26: {  	v4 =	vshrl.u32 v3, $0x3  }
0x27: {  	v4 =	vmul.u32 $0x30, v4  }
0x28: {  	v3 =	vand.u32 $0x7, v3  }
0x29: {  	v3 =	vor.u32 v3, v4  }
0x2a: {  	v4 =	vperm.xlane v3, v0;
	_ =	sdelay $0x1  }
0x2b: {  	v4 =	vadd.s32 v1, v4;
	_ =	sdelay $0x3  }
0x2c: {  	s6 =	simm.s32 $0xF400;
	v3 =	vperm.xlane v3, v2  }
0x2d: {  	[tilespmem:s6], [sflag:$0x1] =	stream.indirect_vreg.gather [hbm4b:s3+s14], $0x80, v4, vm0, $0xb8;
	[tilespmem:$0x18400] =	vst v63  }
0x2e: {  	s7 =	simm.s32 $0xFC00;
	v3 =	vadd.s32 v1, v3  }
0x2f: {  	[tilespmem:s7], [sflag:$0x1] =	stream.indirect_vreg.gather [hbm4b:s8+s14], $0x80, v4, vm0, $0xb8;
	[tilespmem:$0x18400] =	vst v63  }
0x30: {  	s10 =	simm.s32 $0x10400  }
0x31: {  	[tilespmem:s10], [sflag:$0x1] =	stream.indirect_vreg.gather [hbm4b:s9+s14], $0x80, v4, vm0, $0xb8;
	[tilespmem:$0x18400] =	vst v63  }
0x32: {  	s15 =	simm.s32 $0x10C00  }
0x33: {  	[tilespmem:s15], [sflag:$0x1] =	stream.indirect_vreg.gather [hbm4b:s3+s14], $0x80, v3, vm0, $0xb8;
	[tilespmem:$0x18400] =	vst v63  }
0x34: {  	s16 =	simm.s32 $0x11400  }
0x35: {  	[tilespmem:s16], [sflag:$0x1] =	stream.indirect_vreg.gather [hbm4b:s8+s14], $0x80, v3, vm0, $0xb8;
	[tilespmem:$0x18400] =	vst v63  }
0x36: {  	s17 =	simm.s32 $0x11C00  }
0x37: {  	[tilespmem:s17], [sflag:$0x1] =	stream.indirect_vreg.gather [hbm4b:s9+s14], $0x80, v3, vm0, $0xb8;
	[tilespmem:$0x18400] =	vst v63  }
0x38: {  	v3 =	vld [tilespmem:s0+$0x20];
	_ =	sdelay $0x4  }
0x39: {  	v4 =	vshrl.u32 v3, $0x3  }
0x3a: {  	v4 =	vmul.u32 $0x30, v4  }
0x3b: {  	v3 =	vand.u32 $0x7, v3  }
0x3c: {  	v3 =	vor.u32 v3, v4  }
0x3d: {  	v4 =	vperm.xlane v3, v0;
	_ =	sdelay $0x1  }
0x3e: {  	v4 =	vadd.s32 v1, v4;
	_ =	sdelay $0x3  }
0x3f: {  	s18 =	simm.s32 $0x12400;
	v3 =	vperm.xlane v3, v2  }
0x40: {  	[tilespmem:s18], [sflag:$0x1] =	stream.indirect_vreg.gather [hbm4b:s3+s14], $0x80, v4, vm0, $0xb8;
	[tilespmem:$0x18400] =	vst v63  }
0x41: {  	s19 =	simm.s32 $0x12C00;
	v3 =	vadd.s32 v1, v3  }
0x42: {  	[tilespmem:s19], [sflag:$0x1] =	stream.indirect_vreg.gather [hbm4b:s8+s14], $0x80, v4, vm0, $0xb8;
	[tilespmem:$0x18400] =	vst v63  }
0x43: {  	s20 =	simm.s32 $0x13400  }
0x44: {  	[tilespmem:s20], [sflag:$0x1] =	stream.indirect_vreg.gather [hbm4b:s9+s14], $0x80, v4, vm0, $0xb8;
	[tilespmem:$0x18400] =	vst v63  }
0x45: {  	s21 =	simm.s32 $0x13C00  }
0x46: {  	[tilespmem:s21], [sflag:$0x1] =	stream.indirect_vreg.gather [hbm4b:s3+s14], $0x80, v3, vm0, $0xb8;
	[tilespmem:$0x18400] =	vst v63  }
0x47: {  	s22 =	simm.s32 $0x14400  }
0x48: {  	[tilespmem:s22], [sflag:$0x1] =	stream.indirect_vreg.gather [hbm4b:s8+s14], $0x80, v3, vm0, $0xb8;
	[tilespmem:$0x18400] =	vst v63  }
0x49: {  	s23 =	simm.s32 $0x14C00  }
0x4a: {  	[tilespmem:s23], [sflag:$0x1] =	stream.indirect_vreg.gather [hbm4b:s9+s14], $0x80, v3, vm0, $0xb8;
	[tilespmem:$0x18400] =	vst v63  }
0x4b: {  	v3 =	vld [tilespmem:s0+$0x30];
	_ =	sdelay $0x4  }
0x4c: {  	v4 =	vshrl.u32 v3, $0x3  }
0x4d: {  	v4 =	vmul.u32 $0x30, v4  }
0x4e: {  	v3 =	vand.u32 $0x7, v3  }
0x4f: {  	v3 =	vor.u32 v3, v4  }
0x50: {  	v4 =	vperm.xlane v3, v0;
	_ =	sdelay $0x1  }
0x51: {  	v4 =	vadd.s32 v1, v4;
	_ =	sdelay $0x3  }
0x52: {  	s24 =	simm.s32 $0x15400;
	v3 =	vperm.xlane v3, v2  }
0x53: {  	[tilespmem:s24], [sflag:$0x1] =	stream.indirect_vreg.gather [hbm4b:s3+s14], $0x80, v4, vm0, $0xb8;
	[tilespmem:$0x18400] =	vst v63  }
0x54: {  	s25 =	simm.s32 $0x15C00;
	v3 =	vadd.s32 v1, v3  }
0x55: {  	[tilespmem:s25], [sflag:$0x1] =	stream.indirect_vreg.gather [hbm4b:s8+s14], $0x80, v4, vm0, $0xb8;
	[tilespmem:$0x18400] =	vst v63  }
0x56: {  	s26 =	simm.s32 $0x16400;
	s31 =	rddreg [dreg:$0x5]  }
0x57: {  	[tilespmem:s26], [sflag:$0x1] =	stream.indirect_vreg.gather [hbm4b:s9+s14], $0x80, v4, vm0, $0xb8;
	[tilespmem:$0x18400] =	vst v63  }
0x58: {  	s28 =	simm.s32 $0x16C00;
	s0 =	sor.u32 s31, s0  }
0x59: {  	[tilespmem:s28], [sflag:$0x1] =	stream.indirect_vreg.gather [hbm4b:s3+s14], $0x80, v3, vm0, $0xb8;
	[tilespmem:$0x18400] =	vst v63  }
0x5a: {  	s29 =	simm.s32 $0x17400;
	s0 =	sshrl.u32 s0, $0x3  }
0x5b: {  	[tilespmem:s29], [sflag:$0x1] =	stream.indirect_vreg.gather [hbm4b:s8+s14], $0x80, v3, vm0, $0xb8;
	[tilespmem:$0x18400] =	vst v63  }
0x5c: {  	s1 =	simm.s32 $0x17C00;
	s4 =	rddreg [dreg:$0x0];
	s15 =	smul.u32 $0x300, s0  }
0x5d: {  	[tilespmem:s1], [sflag:$0x1] =	stream.indirect_vreg.gather [hbm4b:s9+s14], $0x80, v3, vm0, $0xb8;
	[tilespmem:$0x18400] =	vst v63  }
0x5e: {  	s0 =	sadd.s32 s4, s15  }
0x5f: {  	[tilespmem:s2], [sflag:$0x2] =	stream.linear.gather [hbm4b:s0+s14], $0xC000, $0x38;
	[tilespmem:$0x18400] =	vst v63  }
0x60: {  	_ =	swait.ge [sflag:s11], $0xC000  }
0x61: {  	[sflag:s11] =	ssyncset.done $0x0  }
0x62: {  	s5 =	simm.s32 $0x0;
	[sflag:s11] =	ssyncadd.s32 $0xFFFF4000  }
0x63: {  	s5 =	smul.u32 $0x1800, s5;
	s18 =	sand.u32 $0x300, s14;
	_ =	swait.ge [sflag:s12], $0xC000  }
0x64: {  	s16 =	sor.u32 $0x80, s18;
	[sflag:s12] =	ssyncset.done $0x0  }
0x65: {  	s1 =	sor.u32 s5, s16;
	[sflag:s12] =	ssyncadd.s32 $0xFFFF4000  }
0x66: {  	s0 =	sor.u32 s18, s5;
	v3 =	vld [tilespmem:s1+$0xC400]  }
0x67: {  	v4 =	vld [tilespmem:s0+$0xC400];
	_ =	sdelay $0x2  }
0x68: {  	s6 =	sor.u32 $0x400, s1  }
0x69: {  	s7 =	sor.u32 $0x400, s0;
	[tilespmem:s6+$0x0] =	vst.add.f32.msk $0xffff, v3  }
0x6a: {  	[tilespmem:s7+$0x0] =	vst.add.f32.msk $0xffff, v4  }
0x6b: {  	v3 =	vld [tilespmem:s1+$0xC410]  }
0x6c: {  	v4 =	vld [tilespmem:s0+$0xC410];
	_ =	sdelay $0x2  }
0x6d: {  	s10 =	sor.u32 $0x410, s1  }
0x6e: {  	s17 =	sor.u32 $0x410, s0;
	[tilespmem:s10+$0x0] =	vst.add.f32.msk $0xffff, v3  }
0x6f: {  	[tilespmem:s17+$0x0] =	vst.add.f32.msk $0xffff, v4  }
0x70: {  	v3 =	vld [tilespmem:s1+$0xC420]  }
0x71: {  	v4 =	vld [tilespmem:s0+$0xC420];
	_ =	sdelay $0x2  }
0x72: {  	s19 =	sor.u32 $0x420, s1  }
0x73: {  	s20 =	sor.u32 $0x420, s0;
	[tilespmem:s19+$0x0] =	vst.add.f32.msk $0xffff, v3  }
0x74: {  	[tilespmem:s20+$0x0] =	vst.add.f32.msk $0xffff, v4  }
0x75: {  	v3 =	vld [tilespmem:s1+$0xC430]  }
0x76: {  	v4 =	vld [tilespmem:s0+$0xC430];
	_ =	sdelay $0x2  }
0x77: {  	s21 =	sor.u32 $0x430, s1  }
0x78: {  	s22 =	sor.u32 $0x430, s0;
	[tilespmem:s21+$0x0] =	vst.add.f32.msk $0xffff, v3  }
0x79: {  	[tilespmem:s22+$0x0] =	vst.add.f32.msk $0xffff, v4  }
0x7a: {  	v3 =	vld [tilespmem:s1+$0xC440]  }
0x7b: {  	v4 =	vld [tilespmem:s0+$0xC440];
	_ =	sdelay $0x2  }
0x7c: {  	s23 =	sor.u32 $0x440, s1  }
0x7d: {  	s24 =	sor.u32 $0x440, s0;
	[tilespmem:s23+$0x0] =	vst.add.f32.msk $0xffff, v3  }
0x7e: {  	[tilespmem:s24+$0x0] =	vst.add.f32.msk $0xffff, v4  }
0x7f: {  	v3 =	vld [tilespmem:s1+$0xC450]  }
0x80: {  	v4 =	vld [tilespmem:s0+$0xC450];
	_ =	sdelay $0x2  }
0x81: {  	s25 =	sor.u32 $0x450, s1  }
0x82: {  	s26 =	sor.u32 $0x450, s0;
	[tilespmem:s25+$0x0] =	vst.add.f32.msk $0xffff, v3  }
0x83: {  	[tilespmem:s26+$0x0] =	vst.add.f32.msk $0xffff, v4  }
0x84: {  	v3 =	vld [tilespmem:s1+$0xC460]  }
0x85: {  	v4 =	vld [tilespmem:s0+$0xC460];
	_ =	sdelay $0x2  }
0x86: {  	s28 =	sor.u32 $0x460, s1  }
0x87: {  	s29 =	sor.u32 $0x460, s0;
	[tilespmem:s28+$0x0] =	vst.add.f32.msk $0xffff, v3  }
0x88: {  	[tilespmem:s29+$0x0] =	vst.add.f32.msk $0xffff, v4  }
0x89: {  	v3 =	vld [tilespmem:s1+$0xC470]  }
0x8a: {  	v4 =	vld [tilespmem:s0+$0xC470];
	_ =	sdelay $0x2  }
0x8b: {  	s31 =	sor.u32 $0x470, s1  }
0x8c: {  	s7 =	sor.u32 $0x470, s0;
	[tilespmem:s31+$0x0] =	vst.add.f32.msk $0xffff, v3  }
0x8d: {  	[tilespmem:s7+$0x0] =	vst.add.f32.msk $0xffff, v4  }
0x8e: {  	v3 =	vld [tilespmem:s1+$0xC800]  }
0x8f: {  	v5 =	vld [tilespmem:s1+$0xC810]  }
0x90: {  	v6 =	vld [tilespmem:s1+$0xC820]  }
0x91: {  	v7 =	vld [tilespmem:s1+$0xC830]  }
0x92: {  	v8 =	vld [tilespmem:s1+$0xC840]  }
0x93: {  	v9 =	vld [tilespmem:s1+$0xC850]  }
0x94: {  	v10 =	vld [tilespmem:s1+$0xC860]  }
0x95: {  	v11 =	vld [tilespmem:s1+$0xC870]  }
0x96: {  	v4 =	vld [tilespmem:s0+$0xC800]  }
0x97: {  	[tilespmem:s1+$0x800] =	vst.add.f32.msk $0xffff, v3  }
0x98: {  	[tilespmem:s1+$0x810] =	vst.add.f32.msk $0xffff, v5  }
0x99: {  	[tilespmem:s1+$0x820] =	vst.add.f32.msk $0xffff, v6  }
0x9a: {  	[tilespmem:s1+$0x830] =	vst.add.f32.msk $0xffff, v7  }
0x9b: {  	[tilespmem:s1+$0x840] =	vst.add.f32.msk $0xffff, v8  }
0x9c: {  	[tilespmem:s1+$0x850] =	vst.add.f32.msk $0xffff, v9  }
0x9d: {  	[tilespmem:s1+$0x860] =	vst.add.f32.msk $0xffff, v10  }
0x9e: {  	[tilespmem:s1+$0x870] =	vst.add.f32.msk $0xffff, v11  }
0x9f: {  	v5 =	vld [tilespmem:s0+$0xC810]  }
0xa0: {  	v6 =	vld [tilespmem:s0+$0xC820]  }
0xa1: {  	s4 =	sadd.s32 $0x800, s5;
	v7 =	vld [tilespmem:s0+$0xC830]  }
0xa2: {  	s6 =	sor.u32 s16, s4;
	v8 =	vld [tilespmem:s0+$0xC840]  }
0xa3: {  	v3 =	vld [tilespmem:s6+$0xC400]  }
0xa4: {  	v9 =	vld [tilespmem:s0+$0xC850]  }
0xa5: {  	v10 =	vld [tilespmem:s0+$0xC860]  }
0xa6: {  	v11 =	vld [tilespmem:s0+$0xC870]  }
0xa7: {  	s10 =	sor.u32 $0x400, s6;
	[tilespmem:s0+$0x800] =	vst.add.f32.msk $0xffff, v4  }
0xa8: {  	[tilespmem:s10+$0x0] =	vst.add.f32.msk $0xffff, v3  }
0xa9: {  	v3 =	vld [tilespmem:s6+$0xC410]  }
0xaa: {  	[tilespmem:s0+$0x810] =	vst.add.f32.msk $0xffff, v5  }
0xab: {  	[tilespmem:s0+$0x820] =	vst.add.f32.msk $0xffff, v6  }
0xac: {  	[tilespmem:s0+$0x830] =	vst.add.f32.msk $0xffff, v7  }
0xad: {  	s17 =	sor.u32 $0x410, s6;
	[tilespmem:s0+$0x840] =	vst.add.f32.msk $0xffff, v8  }
0xae: {  	[tilespmem:s17+$0x0] =	vst.add.f32.msk $0xffff, v3  }
0xaf: {  	v3 =	vld [tilespmem:s6+$0xC420]  }
0xb0: {  	[tilespmem:s0+$0x850] =	vst.add.f32.msk $0xffff, v9  }
0xb1: {  	[tilespmem:s0+$0x860] =	vst.add.f32.msk $0xffff, v10  }
0xb2: {  	s1 =	sor.u32 s18, s4;
	[tilespmem:s0+$0x870] =	vst.add.f32.msk $0xffff, v11  }
0xb3: {  	s19 =	sor.u32 $0x420, s6;
	v4 =	vld [tilespmem:s1+$0xC400]  }
0xb4: {  	[tilespmem:s19+$0x0] =	vst.add.f32.msk $0xffff, v3  }
0xb5: {  	v3 =	vld [tilespmem:s6+$0xC430];
	_ =	sdelay $0x1  }
0xb6: {  	s22 =	sor.u32 $0x400, s1  }
0xb7: {  	[tilespmem:s22+$0x0] =	vst.add.f32.msk $0xffff, v4  }
0xb8: {  	s20 =	sor.u32 $0x430, s6;
	v4 =	vld [tilespmem:s1+$0xC410]  }
0xb9: {  	[tilespmem:s20+$0x0] =	vst.add.f32.msk $0xffff, v3  }
0xba: {  	v3 =	vld [tilespmem:s6+$0xC440];
	_ =	sdelay $0x1  }
0xbb: {  	s24 =	sor.u32 $0x410, s1  }
0xbc: {  	[tilespmem:s24+$0x0] =	vst.add.f32.msk $0xffff, v4  }
0xbd: {  	s21 =	sor.u32 $0x440, s6;
	v4 =	vld [tilespmem:s1+$0xC420]  }
0xbe: {  	[tilespmem:s21+$0x0] =	vst.add.f32.msk $0xffff, v3  }
0xbf: {  	v3 =	vld [tilespmem:s6+$0xC450];
	_ =	sdelay $0x1  }
0xc0: {  	s26 =	sor.u32 $0x420, s1  }
0xc1: {  	[tilespmem:s26+$0x0] =	vst.add.f32.msk $0xffff, v4  }
0xc2: {  	s23 =	sor.u32 $0x450, s6;
	v4 =	vld [tilespmem:s1+$0xC430]  }
0xc3: {  	[tilespmem:s23+$0x0] =	vst.add.f32.msk $0xffff, v3  }
0xc4: {  	v3 =	vld [tilespmem:s6+$0xC460];
	_ =	sdelay $0x1  }
0xc5: {  	s7 =	sor.u32 $0x430, s1  }
0xc6: {  	[tilespmem:s7+$0x0] =	vst.add.f32.msk $0xffff, v4  }
0xc7: {  	s25 =	sor.u32 $0x460, s6;
	v4 =	vld [tilespmem:s1+$0xC440]  }
0xc8: {  	[tilespmem:s25+$0x0] =	vst.add.f32.msk $0xffff, v3  }
0xc9: {  	v3 =	vld [tilespmem:s6+$0xC470];
	_ =	sdelay $0x1  }
0xca: {  	s19 =	sor.u32 $0x440, s1  }
0xcb: {  	[tilespmem:s19+$0x0] =	vst.add.f32.msk $0xffff, v4  }
0xcc: {  	s28 =	sadd.s32 $0xC00, s5;
	s29 =	sor.u32 $0x470, s6;
	v4 =	vld [tilespmem:s1+$0xC450]  }
0xcd: {  	s31 =	sor.u32 s16, s28;
	[tilespmem:s29+$0x0] =	vst.add.f32.msk $0xffff, v3  }
0xce: {  	v3 =	vld [tilespmem:s31+$0xC400]  }
0xcf: {  	v5 =	vld [tilespmem:s31+$0xC410]  }
0xd0: {  	v6 =	vld [tilespmem:s31+$0xC420]  }
0xd1: {  	v7 =	vld [tilespmem:s31+$0xC430]  }
0xd2: {  	v8 =	vld [tilespmem:s31+$0xC440]  }
0xd3: {  	v9 =	vld [tilespmem:s31+$0xC450]  }
0xd4: {  	v10 =	vld [tilespmem:s31+$0xC460]  }
0xd5: {  	v11 =	vld [tilespmem:s31+$0xC470]  }
0xd6: {  	[tilespmem:s31+$0x400] =	vst.add.f32.msk $0xffff, v3  }
0xd7: {  	[tilespmem:s31+$0x410] =	vst.add.f32.msk $0xffff, v5  }
0xd8: {  	[tilespmem:s31+$0x420] =	vst.add.f32.msk $0xffff, v6  }
0xd9: {  	[tilespmem:s31+$0x430] =	vst.add.f32.msk $0xffff, v7  }
0xda: {  	[tilespmem:s31+$0x440] =	vst.add.f32.msk $0xffff, v8  }
0xdb: {  	[tilespmem:s31+$0x450] =	vst.add.f32.msk $0xffff, v9  }
0xdc: {  	s4 =	sadd.s32 $0x1000, s5;
	[tilespmem:s31+$0x460] =	vst.add.f32.msk $0xffff, v10  }
0xdd: {  	s10 =	sor.u32 s16, s4;
	[tilespmem:s31+$0x470] =	vst.add.f32.msk $0xffff, v11  }
0xde: {  	v3 =	vld [tilespmem:s10+$0xC400];
	_ =	sdelay $0x1  }
0xdf: {  	s21 =	sor.u32 $0x450, s1  }
0xe0: {  	[tilespmem:s21+$0x0] =	vst.add.f32.msk $0xffff, v4  }
0xe1: {  	s17 =	sor.u32 $0x400, s10;
	v4 =	vld [tilespmem:s1+$0xC460]  }
0xe2: {  	[tilespmem:s17+$0x0] =	vst.add.f32.msk $0xffff, v3  }
0xe3: {  	v3 =	vld [tilespmem:s10+$0xC410];
	_ =	sdelay $0x1  }
0xe4: {  	s23 =	sor.u32 $0x460, s1  }
0xe5: {  	[tilespmem:s23+$0x0] =	vst.add.f32.msk $0xffff, v4  }
0xe6: {  	s20 =	sor.u32 $0x410, s10;
	v4 =	vld [tilespmem:s1+$0xC470]  }
0xe7: {  	[tilespmem:s20+$0x0] =	vst.add.f32.msk $0xffff, v3  }
0xe8: {  	v3 =	vld [tilespmem:s10+$0xC420];
	_ =	sdelay $0x1  }
0xe9: {  	s1 =	sor.u32 $0x470, s1  }
0xea: {  	s0 =	sor.u32 s18, s28;
	[tilespmem:s1+$0x0] =	vst.add.f32.msk $0xffff, v4  }
0xeb: {  	s22 =	sor.u32 $0x420, s10;
	v4 =	vld [tilespmem:s0+$0xC400]  }
0xec: {  	[tilespmem:s22+$0x0] =	vst.add.f32.msk $0xffff, v3  }
0xed: {  	v3 =	vld [tilespmem:s10+$0xC430]  }
0xee: {  	v5 =	vld [tilespmem:s0+$0xC410]  }
0xef: {  	v6 =	vld [tilespmem:s0+$0xC420]  }
0xf0: {  	v7 =	vld [tilespmem:s0+$0xC430]  }
0xf1: {  	s24 =	sor.u32 $0x430, s10;
	v8 =	vld [tilespmem:s0+$0xC440]  }
0xf2: {  	[tilespmem:s24+$0x0] =	vst.add.f32.msk $0xffff, v3  }
0xf3: {  	v3 =	vld [tilespmem:s10+$0xC440]  }
0xf4: {  	v9 =	vld [tilespmem:s0+$0xC450]  }
0xf5: {  	v10 =	vld [tilespmem:s0+$0xC460]  }
0xf6: {  	v11 =	vld [tilespmem:s0+$0xC470]  }
0xf7: {  	s25 =	sor.u32 $0x440, s10;
	[tilespmem:s0+$0x400] =	vst.add.f32.msk $0xffff, v4  }
0xf8: {  	[tilespmem:s25+$0x0] =	vst.add.f32.msk $0xffff, v3  }
0xf9: {  	v3 =	vld [tilespmem:s10+$0xC450]  }
0xfa: {  	[tilespmem:s0+$0x410] =	vst.add.f32.msk $0xffff, v5  }
0xfb: {  	[tilespmem:s0+$0x420] =	vst.add.f32.msk $0xffff, v6  }
0xfc: {  	[tilespmem:s0+$0x430] =	vst.add.f32.msk $0xffff, v7  }
0xfd: {  	s26 =	sor.u32 $0x450, s10;
	[tilespmem:s0+$0x440] =	vst.add.f32.msk $0xffff, v8  }
0xfe: {  	[tilespmem:s26+$0x0] =	vst.add.f32.msk $0xffff, v3  }
0xff: {  	v3 =	vld [tilespmem:s10+$0xC460]  }
0x100: {  	[tilespmem:s0+$0x450] =	vst.add.f32.msk $0xffff, v9  }
0x101: {  	[tilespmem:s0+$0x460] =	vst.add.f32.msk $0xffff, v10  }
0x102: {  	[tilespmem:s0+$0x470] =	vst.add.f32.msk $0xffff, v11;
	s22 =	sor.u32 s18, s4  }
0x103: {  	s28 =	sor.u32 $0x460, s10;
	v4 =	vld [tilespmem:s22+$0xC400]  }
0x104: {  	[tilespmem:s28+$0x0] =	vst.add.f32.msk $0xffff, v3  }
0x105: {  	v3 =	vld [tilespmem:s10+$0xC470];
	_ =	sdelay $0x1  }
0x106: {  	s31 =	sor.u32 $0x400, s22  }
0x107: {  	[tilespmem:s31+$0x0] =	vst.add.f32.msk $0xffff, v4  }
0x108: {  	s2 =	sor.u32 $0x470, s10;
	s29 =	sadd.s32 $0x1400, s5;
	v10 =	vld [tilespmem:s22+$0xC410]  }
0x109: {  	s17 =	sor.u32 s16, s29;
	[tilespmem:s2+$0x0] =	vst.add.f32.msk $0xffff, v3  }
0x10a: {  	v3 =	vld [tilespmem:s17+$0xC470]  }
0x10b: {  	v9 =	vld [tilespmem:s17+$0xC400]  }
0x10c: {  	v8 =	vld [tilespmem:s17+$0xC410]  }
0x10d: {  	v4 =	vld [tilespmem:s17+$0xC430]  }
0x10e: {  	s21 =	sor.u32 s18, s29;
	s16 =	simm.s32 $0x0;
	s0 =	sor.u32 $0x420, s22;
	v5 =	vld [tilespmem:s17+$0xC440]  }
0x10f: {  	s30 =	sor.u32 $0x430, s22;
	s5 =	sor.u32 $0x450, s22;
	s23 =	sor.u32 $0x470, s22;
	[tilespmem:s17+$0x470] =	vst.add.f32.msk $0xffff, v3  }
0x110: {  	s24 =	sor.u32 $0x460, s22;
	s25 =	sor.u32 $0x410, s22;
	s26 =	sor.u32 $0x440, s22;
	v3 =	vld [tilespmem:s17+$0xC420]  }
.LBB2_3:
0x111: {  	s16 =	sadd.s32 $0x2, s16;
	v6 =	vld [tilespmem:s17+$0xC450]  }
0x112: {  	s14 =	sadd.s32 $0x100, s14;
	s1 =	sshrl.u32 s16, $0x3;
	p0 =	slt.u32 s16, $0x3E;
	v7 =	vld [tilespmem:s17+$0xC460]  }
0x113: {  	s18 =	sand.u32 $0x300, s14;
	s20 =	smul.u32 $0x1800, s1;
	[tilespmem:s25+$0x0] =	vst.add.f32.msk $0xffff, v10  }
0x114: {  	s19 =	sor.u32 $0x80, s18;
	v10 =	vld [tilespmem:s22+$0xC420]  }
0x115: {  	s25 =	sor.u32 s18, s20;
	s2 =	sor.u32 s20, s19;
	[tilespmem:s17+$0x400] =	vst.add.f32.msk $0xffff, v9  }
0x116: {  	s28 =	sor.u32 $0x400, s25;
	s29 =	sor.u32 $0x410, s25;
	s31 =	sor.u32 $0x420, s25;
	v9 =	vld [tilespmem:s2+$0xC400]  }
0x117: {  	s4 =	sor.u32 $0x430, s25;
	s10 =	sor.u32 $0x440, s25;
	s6 =	sor.u32 $0x450, s25;
	v11 =	vld [tilespmem:s25+$0xC400]  }
0x118: {  	s1 =	sor.u32 $0x460, s25;
	s7 =	sor.u32 $0x470, s25;
	[tilespmem:s17+$0x410] =	vst.add.f32.msk $0xffff, v8  }
0x119: {  	[tilespmem:s0+$0x0] =	vst.add.f32.msk $0xffff, v10  }
0x11a: {  	s0 =	sor.u32 $0x400, s2;
	v8 =	vld [tilespmem:s22+$0xC430]  }
0x11b: {  	[tilespmem:s0+$0x0] =	vst.add.f32.msk $0xffff, v9  }
0x11c: {  	v9 =	vld [tilespmem:s2+$0xC410]  }
0x11d: {  	[tilespmem:s28+$0x0] =	vst.add.f32.msk $0xffff, v11  }
0x11e: {  	v10 =	vld [tilespmem:s25+$0xC410]  }
0x11f: {  	[tilespmem:s30+$0x0] =	vst.add.f32.msk $0xffff, v8  }
0x120: {  	s0 =	sor.u32 $0x410, s2;
	v8 =	vld [tilespmem:s22+$0xC440]  }
0x121: {  	[tilespmem:s0+$0x0] =	vst.add.f32.msk $0xffff, v9  }
0x122: {  	v9 =	vld [tilespmem:s2+$0xC420]  }
0x123: {  	[tilespmem:s29+$0x0] =	vst.add.f32.msk $0xffff, v10  }
0x124: {  	v10 =	vld [tilespmem:s25+$0xC420]  }
0x125: {  	[tilespmem:s26+$0x0] =	vst.add.f32.msk $0xffff, v8  }
0x126: {  	s0 =	sor.u32 $0x420, s2;
	v8 =	vld [tilespmem:s22+$0xC450]  }
0x127: {  	[tilespmem:s0+$0x0] =	vst.add.f32.msk $0xffff, v9  }
0x128: {  	v9 =	vld [tilespmem:s2+$0xC430]  }
0x129: {  	[tilespmem:s31+$0x0] =	vst.add.f32.msk $0xffff, v10  }
0x12a: {  	v10 =	vld [tilespmem:s25+$0xC430]  }
0x12b: {  	[tilespmem:s5+$0x0] =	vst.add.f32.msk $0xffff, v8  }
0x12c: {  	s0 =	sor.u32 $0x430, s2;
	v8 =	vld [tilespmem:s22+$0xC460]  }
0x12d: {  	[tilespmem:s0+$0x0] =	vst.add.f32.msk $0xffff, v9  }
0x12e: {  	v9 =	vld [tilespmem:s2+$0xC440]  }
0x12f: {  	[tilespmem:s4+$0x0] =	vst.add.f32.msk $0xffff, v10  }
0x130: {  	v10 =	vld [tilespmem:s25+$0xC440]  }
0x131: {  	[tilespmem:s24+$0x0] =	vst.add.f32.msk $0xffff, v8  }
0x132: {  	s0 =	sor.u32 $0x440, s2;
	v8 =	vld [tilespmem:s22+$0xC470]  }
0x133: {  	[tilespmem:s0+$0x0] =	vst.add.f32.msk $0xffff, v9  }
0x134: {  	v11 =	vld [tilespmem:s2+$0xC450]  }
0x135: {  	[tilespmem:s10+$0x0] =	vst.add.f32.msk $0xffff, v10  }
0x136: {  	v10 =	vld [tilespmem:s25+$0xC450]  }
0x137: {  	[tilespmem:s23+$0x0] =	vst.add.f32.msk $0xffff, v8  }
0x138: {  	s0 =	sor.u32 $0x450, s2;
	v9 =	vld [tilespmem:s21+$0xC400]  }
0x139: {  	[tilespmem:s0+$0x0] =	vst.add.f32.msk $0xffff, v11  }
0x13a: {  	v8 =	vld [tilespmem:s2+$0xC460]  }
0x13b: {  	[tilespmem:s6+$0x0] =	vst.add.f32.msk $0xffff, v10  }
0x13c: {  	v12 =	vld [tilespmem:s25+$0xC460]  }
0x13d: {  	v10 =	vld [tilespmem:s21+$0xC410]  }
0x13e: {  	s0 =	sor.u32 $0x460, s2;
	v11 =	vld [tilespmem:s21+$0xC420]  }
0x13f: {  	[tilespmem:s0+$0x0] =	vst.add.f32.msk $0xffff, v8  }
0x140: {  	v13 =	vld [tilespmem:s2+$0xC470]  }
0x141: {  	[tilespmem:s1+$0x0] =	vst.add.f32.msk $0xffff, v12  }
0x142: {  	v14 =	vld [tilespmem:s25+$0xC470]  }
0x143: {  	v12 =	vld [tilespmem:s21+$0xC430]  }
0x144: {  	s0 =	sor.u32 $0x470, s2;
	v8 =	vld [tilespmem:s21+$0xC440]  }
0x145: {  	[tilespmem:s0+$0x0] =	vst.add.f32.msk $0xffff, v13  }
0x146: {  	v13 =	vld [tilespmem:s2+$0xC800]  }
0x147: {  	v15 =	vld [tilespmem:s2+$0xC810]  }
0x148: {  	v16 =	vld [tilespmem:s2+$0xC820]  }
0x149: {  	v17 =	vld [tilespmem:s2+$0xC830]  }
0x14a: {  	v18 =	vld [tilespmem:s2+$0xC840]  }
0x14b: {  	v19 =	vld [tilespmem:s2+$0xC850]  }
0x14c: {  	v20 =	vld [tilespmem:s2+$0xC860]  }
0x14d: {  	v21 =	vld [tilespmem:s2+$0xC870]  }
0x14e: {  	[tilespmem:s2+$0x800] =	vst.add.f32.msk $0xffff, v13  }
0x14f: {  	[tilespmem:s2+$0x810] =	vst.add.f32.msk $0xffff, v15  }
0x150: {  	[tilespmem:s2+$0x820] =	vst.add.f32.msk $0xffff, v16  }
0x151: {  	[tilespmem:s2+$0x830] =	vst.add.f32.msk $0xffff, v17  }
0x152: {  	[tilespmem:s2+$0x840] =	vst.add.f32.msk $0xffff, v18  }
0x153: {  	[tilespmem:s2+$0x850] =	vst.add.f32.msk $0xffff, v19  }
0x154: {  	s0 =	sadd.s32 $0x800, s20;
	[tilespmem:s2+$0x860] =	vst.add.f32.msk $0xffff, v20  }
0x155: {  	s28 =	sor.u32 s18, s0;
	s0 =	sor.u32 s19, s0;
	[tilespmem:s2+$0x870] =	vst.add.f32.msk $0xffff, v21  }
0x156: {  	s10 =	sor.u32 $0x400, s28;
	s6 =	sor.u32 $0x410, s28;
	s1 =	sor.u32 $0x420, s28;
	v13 =	vld [tilespmem:s0+$0xC400]  }
0x157: {  	s5 =	sor.u32 $0x430, s28;
	s2 =	sor.u32 $0x450, s28;
	[tilespmem:s7+$0x0] =	vst.add.f32.msk $0xffff, v14;
	s7 =	sor.u32 $0x440, s28  }
0x158: {  	s31 =	sor.u32 $0x460, s28;
	s29 =	sor.u32 $0x470, s28;
	v14 =	vld [tilespmem:s25+$0xC800]  }
0x159: {  	v15 =	vld [tilespmem:s25+$0xC810]  }
0x15a: {  	s4 =	sor.u32 $0x400, s0;
	v16 =	vld [tilespmem:s25+$0xC820]  }
0x15b: {  	[tilespmem:s4+$0x0] =	vst.add.f32.msk $0xffff, v13  }
0x15c: {  	v13 =	vld [tilespmem:s0+$0xC410]  }
0x15d: {  	v17 =	vld [tilespmem:s25+$0xC830]  }
0x15e: {  	v18 =	vld [tilespmem:s25+$0xC840]  }
0x15f: {  	v19 =	vld [tilespmem:s25+$0xC850]  }
0x160: {  	s4 =	sor.u32 $0x410, s0;
	v20 =	vld [tilespmem:s25+$0xC860]  }
0x161: {  	[tilespmem:s4+$0x0] =	vst.add.f32.msk $0xffff, v13  }
0x162: {  	v13 =	vld [tilespmem:s0+$0xC420]  }
0x163: {  	v21 =	vld [tilespmem:s25+$0xC870]  }
0x164: {  	[tilespmem:s25+$0x800] =	vst.add.f32.msk $0xffff, v14  }
0x165: {  	[tilespmem:s25+$0x810] =	vst.add.f32.msk $0xffff, v15  }
0x166: {  	s4 =	sor.u32 $0x420, s0;
	[tilespmem:s25+$0x820] =	vst.add.f32.msk $0xffff, v16  }
0x167: {  	[tilespmem:s4+$0x0] =	vst.add.f32.msk $0xffff, v13  }
0x168: {  	v13 =	vld [tilespmem:s0+$0xC430]  }
0x169: {  	[tilespmem:s25+$0x830] =	vst.add.f32.msk $0xffff, v17  }
0x16a: {  	[tilespmem:s25+$0x840] =	vst.add.f32.msk $0xffff, v18  }
0x16b: {  	[tilespmem:s25+$0x850] =	vst.add.f32.msk $0xffff, v19  }
0x16c: {  	s4 =	sor.u32 $0x430, s0;
	[tilespmem:s25+$0x860] =	vst.add.f32.msk $0xffff, v20  }
0x16d: {  	[tilespmem:s4+$0x0] =	vst.add.f32.msk $0xffff, v13  }
0x16e: {  	v13 =	vld [tilespmem:s0+$0xC440]  }
0x16f: {  	[tilespmem:s25+$0x870] =	vst.add.f32.msk $0xffff, v21  }
0x170: {  	v14 =	vld [tilespmem:s28+$0xC400]  }
0x171: {  	v15 =	vld [tilespmem:s21+$0xC450]  }
0x172: {  	s4 =	sor.u32 $0x440, s0;
	v16 =	vld [tilespmem:s21+$0xC460]  }
0x173: {  	[tilespmem:s4+$0x0] =	vst.add.f32.msk $0xffff, v13  }
0x174: {  	v13 =	vld [tilespmem:s0+$0xC450]  }
0x175: {  	[tilespmem:s10+$0x0] =	vst.add.f32.msk $0xffff, v14  }
0x176: {  	v14 =	vld [tilespmem:s28+$0xC410]  }
0x177: {  	v17 =	vld [tilespmem:s21+$0xC470]  }
0x178: {  	s4 =	sor.u32 $0x450, s0;
	[tilespmem:s21+$0x400] =	vst.add.f32.msk $0xffff, v9  }
0x179: {  	[tilespmem:s4+$0x0] =	vst.add.f32.msk $0xffff, v13  }
0x17a: {  	v9 =	vld [tilespmem:s0+$0xC460]  }
0x17b: {  	[tilespmem:s6+$0x0] =	vst.add.f32.msk $0xffff, v14  }
0x17c: {  	v13 =	vld [tilespmem:s28+$0xC420]  }
0x17d: {  	[tilespmem:s21+$0x410] =	vst.add.f32.msk $0xffff, v10  }
0x17e: {  	s4 =	sor.u32 $0x460, s0;
	[tilespmem:s21+$0x420] =	vst.add.f32.msk $0xffff, v11  }
0x17f: {  	[tilespmem:s4+$0x0] =	vst.add.f32.msk $0xffff, v9  }
0x180: {  	v9 =	vld [tilespmem:s0+$0xC470]  }
0x181: {  	[tilespmem:s1+$0x0] =	vst.add.f32.msk $0xffff, v13  }
0x182: {  	v10 =	vld [tilespmem:s28+$0xC430]  }
0x183: {  	[tilespmem:s21+$0x430] =	vst.add.f32.msk $0xffff, v12  }
0x184: {  	s0 =	sor.u32 $0x470, s0;
	s1 =	sadd.s32 $0xC00, s20;
	[tilespmem:s21+$0x440] =	vst.add.f32.msk $0xffff, v8  }
0x185: {  	s10 =	sor.u32 s18, s1;
	[tilespmem:s0+$0x0] =	vst.add.f32.msk $0xffff, v9;
	s0 =	sor.u32 s19, s1  }
0x186: {  	v8 =	vld [tilespmem:s0+$0xC400]  }
0x187: {  	v9 =	vld [tilespmem:s0+$0xC410]  }
0x188: {  	v11 =	vld [tilespmem:s0+$0xC420]  }
0x189: {  	v12 =	vld [tilespmem:s0+$0xC430]  }
0x18a: {  	v13 =	vld [tilespmem:s0+$0xC440]  }
0x18b: {  	v14 =	vld [tilespmem:s0+$0xC450]  }
0x18c: {  	v18 =	vld [tilespmem:s0+$0xC460]  }
0x18d: {  	v19 =	vld [tilespmem:s0+$0xC470]  }
0x18e: {  	[tilespmem:s0+$0x400] =	vst.add.f32.msk $0xffff, v8  }
0x18f: {  	[tilespmem:s0+$0x410] =	vst.add.f32.msk $0xffff, v9  }
0x190: {  	[tilespmem:s0+$0x420] =	vst.add.f32.msk $0xffff, v11  }
0x191: {  	[tilespmem:s0+$0x430] =	vst.add.f32.msk $0xffff, v12  }
0x192: {  	[tilespmem:s0+$0x440] =	vst.add.f32.msk $0xffff, v13  }
0x193: {  	[tilespmem:s0+$0x450] =	vst.add.f32.msk $0xffff, v14  }
0x194: {  	s1 =	sadd.s32 $0x1000, s20;
	[tilespmem:s0+$0x460] =	vst.add.f32.msk $0xffff, v18  }
0x195: {  	s22 =	sor.u32 s18, s1;
	s6 =	sor.u32 s19, s1;
	[tilespmem:s0+$0x470] =	vst.add.f32.msk $0xffff, v19  }
0x196: {  	s1 =	sor.u32 $0x400, s22;
	s25 =	sor.u32 $0x410, s22;
	s0 =	sor.u32 $0x420, s22;
	v8 =	vld [tilespmem:s6+$0xC400]  }
0x197: {  	s30 =	sor.u32 $0x430, s22;
	s26 =	sor.u32 $0x440, s22;
	[tilespmem:s5+$0x0] =	vst.add.f32.msk $0xffff, v10;
	s5 =	sor.u32 $0x450, s22  }
0x198: {  	s24 =	sor.u32 $0x460, s22;
	s23 =	sor.u32 $0x470, s22;
	v9 =	vld [tilespmem:s28+$0xC440]  }
0x199: {  	[tilespmem:s21+$0x450] =	vst.add.f32.msk $0xffff, v15  }
0x19a: {  	s4 =	sor.u32 $0x400, s6;
	[tilespmem:s21+$0x460] =	vst.add.f32.msk $0xffff, v16  }
0x19b: {  	[tilespmem:s4+$0x0] =	vst.add.f32.msk $0xffff, v8  }
0x19c: {  	v8 =	vld [tilespmem:s6+$0xC410]  }
0x19d: {  	[tilespmem:s7+$0x0] =	vst.add.f32.msk $0xffff, v9  }
0x19e: {  	v9 =	vld [tilespmem:s28+$0xC450]  }
0x19f: {  	[tilespmem:s21+$0x470] =	vst.add.f32.msk $0xffff, v17  }
0x1a0: {  	s4 =	sor.u32 $0x410, s6;
	[tilespmem:s17+$0x420] =	vst.add.f32.msk $0xffff, v3  }
0x1a1: {  	[tilespmem:s4+$0x0] =	vst.add.f32.msk $0xffff, v8  }
0x1a2: {  	v3 =	vld [tilespmem:s6+$0xC420]  }
0x1a3: {  	[tilespmem:s2+$0x0] =	vst.add.f32.msk $0xffff, v9  }
0x1a4: {  	v8 =	vld [tilespmem:s28+$0xC460]  }
0x1a5: {  	[tilespmem:s17+$0x430] =	vst.add.f32.msk $0xffff, v4  }
0x1a6: {  	s2 =	sor.u32 $0x420, s6;
	[tilespmem:s17+$0x440] =	vst.add.f32.msk $0xffff, v5  }
0x1a7: {  	[tilespmem:s2+$0x0] =	vst.add.f32.msk $0xffff, v3  }
0x1a8: {  	v3 =	vld [tilespmem:s6+$0xC430]  }
0x1a9: {  	[tilespmem:s31+$0x0] =	vst.add.f32.msk $0xffff, v8  }
0x1aa: {  	v4 =	vld [tilespmem:s28+$0xC470]  }
0x1ab: {  	[tilespmem:s17+$0x450] =	vst.add.f32.msk $0xffff, v6  }
0x1ac: {  	s2 =	sor.u32 $0x430, s6;
	[tilespmem:s17+$0x460] =	vst.add.f32.msk $0xffff, v7  }
0x1ad: {  	[tilespmem:s2+$0x0] =	vst.add.f32.msk $0xffff, v3  }
0x1ae: {  	v3 =	vld [tilespmem:s6+$0xC440]  }
0x1af: {  	[tilespmem:s29+$0x0] =	vst.add.f32.msk $0xffff, v4  }
0x1b0: {  	v4 =	vld [tilespmem:s10+$0xC400]  }
0x1b1: {  	v5 =	vld [tilespmem:s10+$0xC410]  }
0x1b2: {  	s2 =	sor.u32 $0x440, s6;
	v6 =	vld [tilespmem:s10+$0xC420]  }
0x1b3: {  	[tilespmem:s2+$0x0] =	vst.add.f32.msk $0xffff, v3  }
0x1b4: {  	v3 =	vld [tilespmem:s6+$0xC450]  }
0x1b5: {  	v7 =	vld [tilespmem:s10+$0xC430]  }
0x1b6: {  	v8 =	vld [tilespmem:s10+$0xC440]  }
0x1b7: {  	v9 =	vld [tilespmem:s10+$0xC450]  }
0x1b8: {  	s2 =	sor.u32 $0x450, s6;
	v10 =	vld [tilespmem:s10+$0xC460]  }
0x1b9: {  	[tilespmem:s2+$0x0] =	vst.add.f32.msk $0xffff, v3  }
0x1ba: {  	v3 =	vld [tilespmem:s6+$0xC460]  }
0x1bb: {  	v11 =	vld [tilespmem:s10+$0xC470]  }
0x1bc: {  	[tilespmem:s10+$0x400] =	vst.add.f32.msk $0xffff, v4  }
0x1bd: {  	[tilespmem:s10+$0x410] =	vst.add.f32.msk $0xffff, v5  }
0x1be: {  	s2 =	sor.u32 $0x460, s6;
	[tilespmem:s10+$0x420] =	vst.add.f32.msk $0xffff, v6  }
0x1bf: {  	[tilespmem:s2+$0x0] =	vst.add.f32.msk $0xffff, v3  }
0x1c0: {  	v3 =	vld [tilespmem:s6+$0xC470]  }
0x1c1: {  	[tilespmem:s10+$0x430] =	vst.add.f32.msk $0xffff, v7  }
0x1c2: {  	[tilespmem:s10+$0x440] =	vst.add.f32.msk $0xffff, v8  }
0x1c3: {  	[tilespmem:s10+$0x450] =	vst.add.f32.msk $0xffff, v9  }
0x1c4: {  	s4 =	sor.u32 $0x470, s6;
	s2 =	sadd.s32 $0x1400, s20;
	[tilespmem:s10+$0x460] =	vst.add.f32.msk $0xffff, v10  }
0x1c5: {  	s21 =	sor.u32 s18, s2;
	s17 =	sor.u32 s19, s2;
	[tilespmem:s4+$0x0] =	vst.add.f32.msk $0xffff, v3  }
0x1c6: {  	v3 =	vld [tilespmem:s17+$0xC470]  }
0x1c7: {  	[tilespmem:s10+$0x470] =	vst.add.f32.msk $0xffff, v11  }
0x1c8: {  	v4 =	vld [tilespmem:s22+$0xC400]  }
0x1c9: {  	v9 =	vld [tilespmem:s17+$0xC400]  }
0x1ca: {  	v8 =	vld [tilespmem:s17+$0xC410]  }
0x1cb: {  	[tilespmem:s17+$0x470] =	vst.add.f32.msk $0xffff, v3  }
.Ltmp0:
0x1cc: {  	v3 =	vld [tilespmem:s17+$0xC420];
	(pc) =	sbr.rel @p0 .LBB2_3-.Ltmp0, $4  }
0x1cd: {  	[tilespmem:s1+$0x0] =	vst.add.f32.msk $0xffff, v4  }
0x1ce: {  	v10 =	vld [tilespmem:s22+$0xC410]  }
0x1cf: {  	v4 =	vld [tilespmem:s17+$0xC430]  }
0x1d0: {  	v5 =	vld [tilespmem:s17+$0xC440]  }
0x1d1: {  	_ =	sdelay $0x1  }
0x1d2: {  	[tilespmem:s25+$0x0] =	vst.add.f32.msk $0xffff, v10  }
0x1d3: {  	v6 =	vld [tilespmem:s22+$0xC420];
	_ =	sdelay $0x4  }
0x1d4: {  	[tilespmem:s0+$0x0] =	vst.add.f32.msk $0xffff, v6  }
0x1d5: {  	v6 =	vld [tilespmem:s22+$0xC430];
	_ =	sdelay $0x4  }
0x1d6: {  	[tilespmem:s30+$0x0] =	vst.add.f32.msk $0xffff, v6  }
0x1d7: {  	v6 =	vld [tilespmem:s22+$0xC440];
	_ =	sdelay $0x4  }
0x1d8: {  	[tilespmem:s26+$0x0] =	vst.add.f32.msk $0xffff, v6  }
0x1d9: {  	v6 =	vld [tilespmem:s22+$0xC450];
	_ =	sdelay $0x3  }
0x1da: {  	v7 =	vld [tilespmem:s17+$0xC450]  }
0x1db: {  	[tilespmem:s5+$0x0] =	vst.add.f32.msk $0xffff, v6  }
0x1dc: {  	v6 =	vld [tilespmem:s22+$0xC460]  }
0x1dd: {  	v61 =	vld [tilespmem:s17+$0xC460]  }
0x1de: {  	[tilespmem:s17+$0x400] =	vst.add.f32.msk $0xffff, v9  }
0x1df: {  	[tilespmem:s17+$0x410] =	vst.add.f32.msk $0xffff, v8  }
0x1e0: {  	[tilespmem:s17+$0x420] =	vst.add.f32.msk $0xffff, v3  }
0x1e1: {  	[tilespmem:s24+$0x0] =	vst.add.f32.msk $0xffff, v6  }
0x1e2: {  	v6 =	vld [tilespmem:s22+$0xC470]  }
0x1e3: {  	[tilespmem:s17+$0x430] =	vst.add.f32.msk $0xffff, v4  }
0x1e4: {  	[tilespmem:s17+$0x440] =	vst.add.f32.msk $0xffff, v5  }
0x1e5: {  	[tilespmem:s17+$0x450] =	vst.add.f32.msk $0xffff, v7  }
0x1e6: {  	[tilespmem:s17+$0x460] =	vst.add.f32.msk $0xffff, v61  }
0x1e7: {  	[tilespmem:s23+$0x0] =	vst.add.f32.msk $0xffff, v6  }
0x1e8: {  	v6 =	vld [tilespmem:s21+$0xC400]  }
0x1e9: {  	v62 =	vld [tilespmem:s21+$0xC410]  }
0x1ea: {  	v63 =	vld [tilespmem:s21+$0xC420]  }
0x1eb: {  	v11 =	vld [tilespmem:s21+$0xC430]  }
0x1ec: {  	v12 =	vld [tilespmem:s21+$0xC440]  }
0x1ed: {  	v13 =	vld [tilespmem:s21+$0xC450]  }
0x1ee: {  	v14 =	vld [tilespmem:s21+$0xC460]  }
0x1ef: {  	v15 =	vld [tilespmem:s21+$0xC470]  }
0x1f0: {  	[tilespmem:s21+$0x400] =	vst.add.f32.msk $0xffff, v6  }
0x1f1: {  	[tilespmem:s21+$0x410] =	vst.add.f32.msk $0xffff, v62  }
0x1f2: {  	[tilespmem:s21+$0x420] =	vst.add.f32.msk $0xffff, v63  }
0x1f3: {  	[tilespmem:s21+$0x430] =	vst.add.f32.msk $0xffff, v11  }
0x1f4: {  	[tilespmem:s21+$0x440] =	vst.add.f32.msk $0xffff, v12  }
0x1f5: {  	s13 =	sadd.s32 $0x1, s13;
	[tilespmem:s21+$0x450] =	vst.add.f32.msk $0xffff, v13  }
0x1f6: {  	s31 =	rddreg [dreg:$0x3];
	s1 =	simm.s32 $0x0;
	p0 =	sne.s32 s13, $0x10;
	[tilespmem:s21+$0x460] =	vst.add.f32.msk $0xffff, v14  }
.Ltmp1:
0x1f7: {  	s2 =	simm.s32 $0x400;
	s0 =	sadd.s32 s31, s15;
	[tilespmem:s21+$0x470] =	vst.add.f32.msk $0xffff, v15;
	(pc) =	sbr.rel @p0 .LBB2_2-.Ltmp1, $4  }
0x1f8: {  	[hbm4b:s0+s1] =	stream.linear.scatter [tilespmem:s2], [sflag:$0x2], $0xC000, $0x38;
	[tilespmem:$0x18400] =	vst v63  }
0x1f9: {  	_ =	swait.ge [sflag:s11], $0xC000  }
0x1fa: {  	[sflag:s11] =	ssyncset.done $0x0  }
0x1fb: {  	[sflag:s11] =	ssyncadd.s32 $0xFFFF4000  }
0x1fc: {  	s1 =	rddreg [dreg:$0x8]  }
0x1fd: {  	s0 =	rddreg [dreg:$0x7];
	s1 =	sadd.s32 $0x1, s1  }
0x1fe: {  	p0 =	sne.s32 s1, s0  }
.Ltmp2:
0x1ff: {  	_ = 	snop;
	(pc) =	sbr.rel @p0 .LBB2_1-.Ltmp2, $1  }
0x200: {  	_ =	sdelay $0x3  }
0x201: {  	_ =	sfence.sel $0x180000  }
0x202: {  	[bflag:$0x0] =	sbarrier.arrive $0xFFFF  }
0x203: {  	_ =	strace $0x90000047  }
0x204: {  	s0 =	stileid.u32;
	[bflag:$0x2] =	sbarrier.arrive $0xFFFF  }
0x205: {  	p0 =	sne.s32 s0, $0x0;
	s0 =	rddreg [dreg:$0x4]  }
0x206: {  	s0 =	sadd.s32 @!p0 $0x100000, s0  }
0x207: {  	[sflag:s0] =	ssyncadd.tile.s32 @!p0 $0x1;
	_ =	shalt  }
.Lfunc_end2:
_tile_overlayer_lowered:
.L_overlay_start_2:
0x208: {  	(tag) =	ssettag $0x2  }
0x209: {  	s0 =	rddreg [dreg:$0x0];
	s2 =	stileid.u32  }
0x20a: {  	s1 =	rddreg [dreg:$0x1];
	p0 =	sne.s32 s2, $0x0  }
0x20b: {  	s3 =	rddreg [dreg:$0x2];
	[bflag:$0x3] =	sbarrier.arrive $0xFFFF;
	s2 =	simm.s32 @!p0 $0x1C02  }
0x20c: {  	[timem:s3], [sflag:s2] =	dma.local @!p0 [hbm:s0], s1  }
0x20d: {  	s0 =	simm.s32 @!p0 $0x2  }
0x20e: {  	_ =	swait.ge @!p0 [sflag:s0], s1  }
0x20f: {  	s1 =	ssub.s32 @!p0 $0x0, s1;
	[sflag:s0] =	ssyncset.done @!p0 $0x0  }
0x210: {  	[sflag:s0] =	ssyncadd.s32 @!p0 s1  }
0x211: {  	[bflag:$0x3] =	sbarrier.arrive $0xFFFF  }
0x212: {  	_ =	shalt  }

</sc_bundles>
